<compile_context>
chip_gen: v7x
topology: tpu7x:2x2x1
jax: 0.10.2.dev20260603
libtpu: 0.0.44.dev20260713+nightly
codegen_flags: <defaults>
</compile_context>

<pallas_src>
import jax
import jax.numpy as jnp
from jax import lax
from jax.experimental import pallas as pl
from jax.experimental.pallas import tpu as pltpu
from jax.experimental.pallas import tpu_sc as plsc

B, T, S, F = 1024, 20, 2, 26
V, D = 100000, 32
N = B * T * S
M = N * F
NW = 32
PER_W = M // NW
GROUP = 128
NG = 13
BATCH = GROUP * NG
NB = PER_W // BATCH
L = 16


def _body(xf, tab, out, idx_a, idx_b, offb, rows_a, rows_b,
          gsem_a, gsem_b, osem_a, osem_b):
    wid = lax.axis_index("s") * 2 + lax.axis_index("c")
    wbase = wid * PER_W

    @pl.loop(0, BATCH // L)
    def _off(k):
        pos = k * L + lax.iota(jnp.int32, L)
        offb[pl.ds(k * L, L)] = (pos % F) * V

    def load_compute(b, idxb):
        pltpu.sync_copy(xf.at[pl.ds(wbase + b * BATCH, BATCH)], idxb)

        @pl.loop(0, BATCH // L)
        def _add(k):
            idxb[pl.ds(k * L, L)] = idxb[pl.ds(k * L, L)] + offb[pl.ds(k * L, L)]

    def fire_gathers(idxb, rows, gsem):
        for g in range(NG):
            pltpu.async_copy(
                tab.at[idxb.at[pl.ds(g * GROUP, GROUP)]],
                rows.at[pl.ds(g * GROUP, GROUP)],
                gsem,
            )

    def wait_gathers(rows, gsem):
        pltpu.make_async_copy(out.at[pl.ds(0, BATCH)], rows, gsem).wait()

    def fire_out(b, rows, osem):
        pltpu.async_copy(rows, out.at[pl.ds(wbase + b * BATCH, BATCH)], osem)

    def wait_out(rows, osem):
        pltpu.make_async_copy(rows, out.at[pl.ds(0, BATCH)], osem).wait()

    load_compute(0, idx_a)
    fire_gathers(idx_a, rows_a, gsem_a)
    load_compute(1, idx_b)
    fire_gathers(idx_b, rows_b, gsem_b)

    @pl.loop(0, (NB - 2) // 2)
    def _iter(i):
        b = 2 * i
        wait_gathers(rows_a, gsem_a)
        fire_out(b, rows_a, osem_a)
        load_compute(b + 2, idx_a)
        wait_out(rows_a, osem_a)
        fire_gathers(idx_a, rows_a, gsem_a)

        wait_gathers(rows_b, gsem_b)
        fire_out(b + 1, rows_b, osem_b)
        load_compute(b + 3, idx_b)
        wait_out(rows_b, osem_b)
        fire_gathers(idx_b, rows_b, gsem_b)

    wait_gathers(rows_a, gsem_a)
    fire_out(NB - 2, rows_a, osem_a)
    wait_gathers(rows_b, gsem_b)
    fire_out(NB - 1, rows_b, osem_b)
    wait_out(rows_a, osem_a)
    wait_out(rows_b, osem_b)


@jax.jit
def _embed(xf, tab):
    mesh = plsc.VectorSubcoreMesh(core_axis_name="c", subcore_axis_name="s")
    return pl.kernel(
        _body,
        out_type=jax.ShapeDtypeStruct((M, D), jnp.float32),
        mesh=mesh,
        scratch_types=[
            pltpu.VMEM((BATCH,), jnp.int32),
            pltpu.VMEM((BATCH,), jnp.int32),
            pltpu.VMEM((BATCH,), jnp.int32),
            pltpu.VMEM((BATCH, D), jnp.float32),
            pltpu.VMEM((BATCH, D), jnp.float32),
            pltpu.SemaphoreType.DMA,
            pltpu.SemaphoreType.DMA,
            pltpu.SemaphoreType.DMA,
            pltpu.SemaphoreType.DMA,
        ],
        compiler_params=pltpu.CompilerParams(use_tc_tiling_on_sc=False),
    )(xf, tab)


def kernel(x, tables):
    xf = x.reshape(M)
    tab = tables.reshape(F * V, D)
    out = _embed(xf, tab)
    return out.reshape(B, T, S, F * D)

# --- scband reference (transcript-rebuilt; emitter-appended) ---
"""Pipeline reference for scband-hfembedding-24781961298207 (READ-ONLY COPY).

The authoritative reference and input builder live on the scoring server;
editing this copy changes nothing except your own understanding.
"""

import jax, jax.numpy as jnp
import numpy as np

B, T, S, F = 1024, 20, 2, 26
V, D = 100000, 32

def setup_inputs(seed: int = 0) -> dict:
    key = jax.random.key(seed)
    k1, k2 = jax.random.split(key)
    # categorical indices [B, T, S, num_cat_feats]
    x = jax.random.randint(k1, (B, T, S, F), 0, V, dtype=jnp.int32)
    # one embedding table per feature; all same vocab/dim so stack: [F, V, D]
    tables = jax.random.normal(k2, (F, V, D), dtype=jnp.float32) * 0.02
    return {"x": x, "tables": tables}

def reference(x, tables):
    # HFEmbedding.forward: per-feature embedding lookup, concat on last dim
    embeds = []
    for i in range(F):
        embeds.append(jnp.take(tables[i], x[..., i], axis=0))  # [B,T,S,D]
    return jnp.concatenate(embeds, axis=-1)  # [B,T,S,F*D]

if __name__ == "__main__":
    import jax
    _d = setup_inputs()
    print(jax.jit(kernel)(*tuple(_d.values())))

</pallas_src>

<mosaic_0001>
#map = affine_map<(d0, d1) -> (0)>
#map1 = affine_map<(d0, d1) -> (0, 0)>
module attributes {stable_mosaic.version = 14 : i64} {
  func.func @_body(%arg0: i32, %arg1: i32, %arg2: memref<1064960xi32, #tpu.memory_space<hbm>>, %arg3: memref<2600000x32xf32, #tpu.memory_space<hbm>>, %arg4: memref<1064960x32xf32, #tpu.memory_space<hbm>>, %arg5: memref<1664xi32, #tpu.memory_space<vmem>>, %arg6: memref<1664xi32, #tpu.memory_space<vmem>>, %arg7: memref<1664xi32, #tpu.memory_space<vmem>>, %arg8: memref<1664x32xf32, #tpu.memory_space<vmem>>, %arg9: memref<1664x32xf32, #tpu.memory_space<vmem>>, %arg10: memref<!tpu.dma_semaphore, #tpu.memory_space<semaphore_mem>>, %arg11: memref<!tpu.dma_semaphore, #tpu.memory_space<semaphore_mem>>, %arg12: memref<!tpu.dma_semaphore, #tpu.memory_space<semaphore_mem>>, %arg13: memref<!tpu.dma_semaphore, #tpu.memory_space<semaphore_mem>>) attributes {dimension_semantics = [#tpu.dimension_semantics<core_parallel>, #tpu.dimension_semantics<subcore_parallel>], iteration_bounds = array<i64: 2, 16>, scalar_prefetch = 0 : i64, scratch_operands = 9 : i64, tpu.core_type = #tpu.core_type<sc_vector_subcore>, window_params = [{transform_indices = #map}, {transform_indices = #map1}, {transform_indices = #map1}]} {
    %mul3A = arith.constant 2 : i32
    %mul3A_0 = arith.muli %arg1, %mul3A : i32
    %add3A = arith.addi %mul3A_0, %arg0 : i32
    %mul3A_1 = arith.constant 33280 : i32
    %mul3A_2 = arith.muli %add3A, %mul3A_1 : i32
    %scan3A = arith.constant 0 : i32
    %scan3A_3 = arith.constant 104 : i32
    %scan3A_4 = arith.addi %scan3A, %scan3A_3 : i32
    %scan3A_5 = arith.constant 1 : i32
    scf.for %scan3A_268 = %scan3A to %scan3A_4 step %scan3A_5  : i32 {
      %mul3A_269 = arith.constant 1 : i32
      %mul3A_270 = arith.muli %scan3A_268, %mul3A_269 : i32
      %add3A_271 = arith.constant 0 : i32
      %add3A_272 = arith.addi %add3A_271, %mul3A_270 : i32
      %mul3A_273 = arith.constant 16 : i32
      %mul3A_274 = arith.muli %add3A_272, %mul3A_273 : i32
      %iota3A = tpu.iota {dimensions = array<i32: 0>} : vector<16xi32>
      %add3A_275 = vector.broadcast %mul3A_274 : i32 to vector<16xi32>
      %add3A_276 = arith.addi %add3A_275, %iota3A : vector<16xi32>
      %jit3A = arith.constant 26 : i32
      %eq3A = arith.constant 0 : i32
      %eq3A_277 = arith.cmpi eq, %jit3A, %eq3A : i32
      %jit3A_278 = arith.constant 1 : i32
      %select_n3A = arith.select %eq3A_277, %jit3A_278, %jit3A : i32
      %rem3A = vector.broadcast %select_n3A : i32 to vector<16xi32>
      %rem3A_279 = arith.remsi %add3A_276, %rem3A : vector<16xi32>
      %ne3A = arith.constant 0 : i32
      %ne3A_280 = vector.broadcast %ne3A : i32 to vector<16xi32>
      %ne3A_281 = arith.cmpi ne, %rem3A_279, %ne3A_280 : vector<16xi32>
      %lt3A = arith.constant 0 : i32
      %lt3A_282 = vector.broadcast %lt3A : i32 to vector<16xi32>
      %lt3A_283 = arith.cmpi slt, %rem3A_279, %lt3A_282 : vector<16xi32>
      %lt3A_284 = arith.constant 0 : i32
      %lt3A_285 = arith.cmpi slt, %select_n3A, %lt3A_284 : i32
      %ne3A_286 = vector.broadcast %lt3A_285 : i1 to vector<16xi1>
      %ne3A_287 = vector.broadcast %ne3A_286 : vector<16xi1> to vector<16xi1>
      %ne3A_288 = arith.xori %lt3A_283, %ne3A_287 : vector<16xi1>
      %and3A = arith.andi %ne3A_288, %ne3A_281 : vector<16xi1>
      %add3A_289 = vector.broadcast %select_n3A : i32 to vector<16xi32>
      %add3A_290 = arith.addi %rem3A_279, %add3A_289 : vector<16xi32>
      %select_n3A_291 = arith.select %and3A, %add3A_290, %rem3A_279 : vector<16xi1>, vector<16xi32>
      %mul3A_292 = arith.constant 100000 : i32
      %mul3A_293 = vector.broadcast %mul3A_292 : i32 to vector<16xi32>
      %mul3A_294 = arith.muli %select_n3A_291, %mul3A_293 : vector<16xi32>
      %mul3A_295 = arith.constant 16 : i32
      %mul3A_296 = arith.muli %add3A_272, %mul3A_295 : i32
      %swap3A = arith.index_cast %mul3A_296 : i32 to index
      %swap3A_297 = tpu.vector_load %arg7[%swap3A] {strides = array<i32>} : memref<1664xi32, #tpu.memory_space<vmem>>, vector<16xi32>,
      %swap3A_298 = vector.shape_cast %swap3A_297 : vector<16xi32> to vector<16xi32>
      %swap3A_299 = vector.shape_cast %mul3A_294 : vector<16xi32> to vector<16xi32>
      tpu.vector_store %arg7[%swap3A], %swap3A_299 {strides = array<i32>} : memref<1664xi32, #tpu.memory_space<vmem>>, vector<16xi32>,
    }
    %scan3A_6 = arith.constant 104 : i32
    %add3A_7 = arith.constant 0 : i32
    %add3A_8 = arith.addi %mul3A_2, %add3A_7 : i32
    "tpu.region"() ({
      %run_scoped3A = tpu.sem_alloc : memref<!tpu.dma_semaphore, #tpu.memory_space<semaphore_mem>>
      %dma_start3A_268 = tpu.memref_slice %arg2[%add3A_8] : memref<1064960xi32, #tpu.memory_space<hbm>> -> memref<1664xi32, #tpu.memory_space<hbm>>
      %dma_start3A_269 = tpu.memref_slice %arg2[%add3A_8] : memref<1064960xi32, #tpu.memory_space<hbm>> -> memref<1664xi32, #tpu.memory_space<hbm>>
      tpu.enqueue_dma source(%dma_start3A_269 : memref<1664xi32, #tpu.memory_space<hbm>>) target(%arg5 : memref<1664xi32, #tpu.memory_space<vmem>>) target_semaphore(%run_scoped3A : memref<!tpu.dma_semaphore, #tpu.memory_space<semaphore_mem>>)
      %dma_wait3A_270 = tpu.memref_slice %arg2[%add3A_8] : memref<1064960xi32, #tpu.memory_space<hbm>> -> memref<1664xi32, #tpu.memory_space<hbm>>
      %dma_wait3A_271 = tpu.memref_slice %arg2[%add3A_8] : memref<1064960xi32, #tpu.memory_space<hbm>> -> memref<1664xi32, #tpu.memory_space<hbm>>
      tpu.wait_dma2 semaphore(%run_scoped3A : memref<!tpu.dma_semaphore, #tpu.memory_space<semaphore_mem>>) src(%dma_wait3A_271 : memref<1664xi32, #tpu.memory_space<hbm>>) dst(%arg5 : memref<1664xi32, #tpu.memory_space<vmem>>)
      tpu.yield
    }) : () -> ()
    %scan3A_9 = arith.constant 0 : i32
    %scan3A_10 = arith.constant 104 : i32
    %scan3A_11 = arith.addi %scan3A_9, %scan3A_10 : i32
    %scan3A_12 = arith.constant 1 : i32
    scf.for %scan3A_268 = %scan3A_9 to %scan3A_11 step %scan3A_12  : i32 {
      %mul3A_269 = arith.constant 1 : i32
      %mul3A_270 = arith.muli %scan3A_268, %mul3A_269 : i32
      %add3A_271 = arith.constant 0 : i32
      %add3A_272 = arith.addi %add3A_271, %mul3A_270 : i32
      %mul3A_273 = arith.constant 16 : i32
      %mul3A_274 = arith.muli %add3A_272, %mul3A_273 : i32
      %get3A = arith.index_cast %mul3A_274 : i32 to index
      %get3A_275 = tpu.vector_load %arg5[%get3A] {strides = array<i32>} : memref<1664xi32, #tpu.memory_space<vmem>>, vector<16xi32>,
      %get3A_276 = vector.shape_cast %get3A_275 : vector<16xi32> to vector<16xi32>
      %mul3A_277 = arith.constant 16 : i32
      %mul3A_278 = arith.muli %add3A_272, %mul3A_277 : i32
      %get3A_279 = arith.index_cast %mul3A_278 : i32 to index
      %get3A_280 = tpu.vector_load %arg7[%get3A_279] {strides = array<i32>} : memref<1664xi32, #tpu.memory_space<vmem>>, vector<16xi32>,
      %get3A_281 = vector.shape_cast %get3A_280 : vector<16xi32> to vector<16xi32>
      %add3A_282 = arith.addi %get3A_276, %get3A_281 : vector<16xi32>
      %mul3A_283 = arith.constant 16 : i32
      %mul3A_284 = arith.muli %add3A_272, %mul3A_283 : i32
      %swap3A = arith.index_cast %mul3A_284 : i32 to index
      %swap3A_285 = tpu.vector_load %arg5[%swap3A] {strides = array<i32>} : memref<1664xi32, #tpu.memory_space<vmem>>, vector<16xi32>,
      %swap3A_286 = vector.shape_cast %swap3A_285 : vector<16xi32> to vector<16xi32>
      %swap3A_287 = vector.shape_cast %add3A_282 : vector<16xi32> to vector<16xi32>
      tpu.vector_store %arg5[%swap3A], %swap3A_287 {strides = array<i32>} : memref<1664xi32, #tpu.memory_space<vmem>>, vector<16xi32>,
    }
    %scan3A_13 = arith.constant 104 : i32
    %dma_start3A = arith.constant 0 : i32
    %dma_start3A_14 = arith.constant 0 : i32
    %dma_start3A_15 = tpu.memref_slice %arg8[%dma_start3A, %dma_start3A_14] : memref<1664x32xf32, #tpu.memory_space<vmem>> -> memref<128x32xf32, #tpu.memory_space<vmem>>
    %dma_start3A_16 = arith.constant 0 : i32
    %dma_start3A_17 = tpu.memref_slice %arg5[%dma_start3A_16] : memref<1664xi32, #tpu.memory_space<vmem>> -> memref<128xi32, #tpu.memory_space<vmem>>
    %dma_start3A_18 = arith.constant 0 : i32
    %dma_start3A_19 = arith.constant 0 : i32
    %dma_start3A_20 = tpu.memref_slice %arg3[%dma_start3A_18, %dma_start3A_19] : memref<2600000x32xf32, #tpu.memory_space<hbm>> -> memref<2600000x32xf32, #tpu.memory_space<hbm>>
    tpu.enqueue_indirect_dma source(%dma_start3A_20 : memref<2600000x32xf32, #tpu.memory_space<hbm>>) target(%dma_start3A_15 : memref<128x32xf32, #tpu.memory_space<vmem>>) offsets(%dma_start3A_17 : memref<128xi32, #tpu.memory_space<vmem>>) semaphore(%arg10 : memref<!tpu.dma_semaphore, #tpu.memory_space<semaphore_mem>>)
    %dma_start3A_21 = arith.constant 128 : i32
    %dma_start3A_22 = arith.constant 0 : i32
    %dma_start3A_23 = tpu.memref_slice %arg8[%dma_start3A_21, %dma_start3A_22] : memref<1664x32xf32, #tpu.memory_space<vmem>> -> memref<128x32xf32, #tpu.memory_space<vmem>>
    %dma_start3A_24 = arith.constant 128 : i32
    %dma_start3A_25 = tpu.memref_slice %arg5[%dma_start3A_24] : memref<1664xi32, #tpu.memory_space<vmem>> -> memref<128xi32, #tpu.memory_space<vmem>>
    %dma_start3A_26 = arith.constant 0 : i32
    %dma_start3A_27 = arith.constant 0 : i32
    %dma_start3A_28 = tpu.memref_slice %arg3[%dma_start3A_26, %dma_start3A_27] : memref<2600000x32xf32, #tpu.memory_space<hbm>> -> memref<2600000x32xf32, #tpu.memory_space<hbm>>
    tpu.enqueue_indirect_dma source(%dma_start3A_28 : memref<2600000x32xf32, #tpu.memory_space<hbm>>) target(%dma_start3A_23 : memref<128x32xf32, #tpu.memory_space<vmem>>) offsets(%dma_start3A_25 : memref<128xi32, #tpu.memory_space<vmem>>) semaphore(%arg10 : memref<!tpu.dma_semaphore, #tpu.memory_space<semaphore_mem>>)
    %dma_start3A_29 = arith.constant 256 : i32
    %dma_start3A_30 = arith.constant 0 : i32
    %dma_start3A_31 = tpu.memref_slice %arg8[%dma_start3A_29, %dma_start3A_30] : memref<1664x32xf32, #tpu.memory_space<vmem>> -> memref<128x32xf32, #tpu.memory_space<vmem>>
    %dma_start3A_32 = arith.constant 256 : i32
    %dma_start3A_33 = tpu.memref_slice %arg5[%dma_start3A_32] : memref<1664xi32, #tpu.memory_space<vmem>> -> memref<128xi32, #tpu.memory_space<vmem>>
    %dma_start3A_34 = arith.constant 0 : i32
    %dma_start3A_35 = arith.constant 0 : i32
    %dma_start3A_36 = tpu.memref_slice %arg3[%dma_start3A_34, %dma_start3A_35] : memref<2600000x32xf32, #tpu.memory_space<hbm>> -> memref<2600000x32xf32, #tpu.memory_space<hbm>>
    tpu.enqueue_indirect_dma source(%dma_start3A_36 : memref<2600000x32xf32, #tpu.memory_space<hbm>>) target(%dma_start3A_31 : memref<128x32xf32, #tpu.memory_space<vmem>>) offsets(%dma_start3A_33 : memref<128xi32, #tpu.memory_space<vmem>>) semaphore(%arg10 : memref<!tpu.dma_semaphore, #tpu.memory_space<semaphore_mem>>)
    %dma_start3A_37 = arith.constant 384 : i32
    %dma_start3A_38 = arith.constant 0 : i32
    %dma_start3A_39 = tpu.memref_slice %arg8[%dma_start3A_37, %dma_start3A_38] : memref<1664x32xf32, #tpu.memory_space<vmem>> -> memref<128x32xf32, #tpu.memory_space<vmem>>
    %dma_start3A_40 = arith.constant 384 : i32
    %dma_start3A_41 = tpu.memref_slice %arg5[%dma_start3A_40] : memref<1664xi32, #tpu.memory_space<vmem>> -> memref<128xi32, #tpu.memory_space<vmem>>
    %dma_start3A_42 = arith.constant 0 : i32
    %dma_start3A_43 = arith.constant 0 : i32
    %dma_start3A_44 = tpu.memref_slice %arg3[%dma_start3A_42, %dma_start3A_43] : memref<2600000x32xf32, #tpu.memory_space<hbm>> -> memref<2600000x32xf32, #tpu.memory_space<hbm>>
    tpu.enqueue_indirect_dma source(%dma_start3A_44 : memref<2600000x32xf32, #tpu.memory_space<hbm>>) target(%dma_start3A_39 : memref<128x32xf32, #tpu.memory_space<vmem>>) offsets(%dma_start3A_41 : memref<128xi32, #tpu.memory_space<vmem>>) semaphore(%arg10 : memref<!tpu.dma_semaphore, #tpu.memory_space<semaphore_mem>>)
    %dma_start3A_45 = arith.constant 512 : i32
    %dma_start3A_46 = arith.constant 0 : i32
    %dma_start3A_47 = tpu.memref_slice %arg8[%dma_start3A_45, %dma_start3A_46] : memref<1664x32xf32, #tpu.memory_space<vmem>> -> memref<128x32xf32, #tpu.memory_space<vmem>>
    %dma_start3A_48 = arith.constant 512 : i32
    %dma_start3A_49 = tpu.memref_slice %arg5[%dma_start3A_48] : memref<1664xi32, #tpu.memory_space<vmem>> -> memref<128xi32, #tpu.memory_space<vmem>>
    %dma_start3A_50 = arith.constant 0 : i32
    %dma_start3A_51 = arith.constant 0 : i32
    %dma_start3A_52 = tpu.memref_slice %arg3[%dma_start3A_50, %dma_start3A_51] : memref<2600000x32xf32, #tpu.memory_space<hbm>> -> memref<2600000x32xf32, #tpu.memory_space<hbm>>
    tpu.enqueue_indirect_dma source(%dma_start3A_52 : memref<2600000x32xf32, #tpu.memory_space<hbm>>) target(%dma_start3A_47 : memref<128x32xf32, #tpu.memory_space<vmem>>) offsets(%dma_start3A_49 : memref<128xi32, #tpu.memory_space<vmem>>) semaphore(%arg10 : memref<!tpu.dma_semaphore, #tpu.memory_space<semaphore_mem>>)
    %dma_start3A_53 = arith.constant 640 : i32
    %dma_start3A_54 = arith.constant 0 : i32
    %dma_start3A_55 = tpu.memref_slice %arg8[%dma_start3A_53, %dma_start3A_54] : memref<1664x32xf32, #tpu.memory_space<vmem>> -> memref<128x32xf32, #tpu.memory_space<vmem>>
    %dma_start3A_56 = arith.constant 640 : i32
    %dma_start3A_57 = tpu.memref_slice %arg5[%dma_start3A_56] : memref<1664xi32, #tpu.memory_space<vmem>> -> memref<128xi32, #tpu.memory_space<vmem>>
    %dma_start3A_58 = arith.constant 0 : i32
    %dma_start3A_59 = arith.constant 0 : i32
    %dma_start3A_60 = tpu.memref_slice %arg3[%dma_start3A_58, %dma_start3A_59] : memref<2600000x32xf32, #tpu.memory_space<hbm>> -> memref<2600000x32xf32, #tpu.memory_space<hbm>>
    tpu.enqueue_indirect_dma source(%dma_start3A_60 : memref<2600000x32xf32, #tpu.memory_space<hbm>>) target(%dma_start3A_55 : memref<128x32xf32, #tpu.memory_space<vmem>>) offsets(%dma_start3A_57 : memref<128xi32, #tpu.memory_space<vmem>>) semaphore(%arg10 : memref<!tpu.dma_semaphore, #tpu.memory_space<semaphore_mem>>)
    %dma_start3A_61 = arith.constant 768 : i32
    %dma_start3A_62 = arith.constant 0 : i32
    %dma_start3A_63 = tpu.memref_slice %arg8[%dma_start3A_61, %dma_start3A_62] : memref<1664x32xf32, #tpu.memory_space<vmem>> -> memref<128x32xf32, #tpu.memory_space<vmem>>
    %dma_start3A_64 = arith.constant 768 : i32
    %dma_start3A_65 = tpu.memref_slice %arg5[%dma_start3A_64] : memref<1664xi32, #tpu.memory_space<vmem>> -> memref<128xi32, #tpu.memory_space<vmem>>
    %dma_start3A_66 = arith.constant 0 : i32
    %dma_start3A_67 = arith.constant 0 : i32
    %dma_start3A_68 = tpu.memref_slice %arg3[%dma_start3A_66, %dma_start3A_67] : memref<2600000x32xf32, #tpu.memory_space<hbm>> -> memref<2600000x32xf32, #tpu.memory_space<hbm>>
    tpu.enqueue_indirect_dma source(%dma_start3A_68 : memref<2600000x32xf32, #tpu.memory_space<hbm>>) target(%dma_start3A_63 : memref<128x32xf32, #tpu.memory_space<vmem>>) offsets(%dma_start3A_65 : memref<128xi32, #tpu.memory_space<vmem>>) semaphore(%arg10 : memref<!tpu.dma_semaphore, #tpu.memory_space<semaphore_mem>>)
    %dma_start3A_69 = arith.constant 896 : i32
    %dma_start3A_70 = arith.constant 0 : i32
    %dma_start3A_71 = tpu.memref_slice %arg8[%dma_start3A_69, %dma_start3A_70] : memref<1664x32xf32, #tpu.memory_space<vmem>> -> memref<128x32xf32, #tpu.memory_space<vmem>>
    %dma_start3A_72 = arith.constant 896 : i32
    %dma_start3A_73 = tpu.memref_slice %arg5[%dma_start3A_72] : memref<1664xi32, #tpu.memory_space<vmem>> -> memref<128xi32, #tpu.memory_space<vmem>>
    %dma_start3A_74 = arith.constant 0 : i32
    %dma_start3A_75 = arith.constant 0 : i32
    %dma_start3A_76 = tpu.memref_slice %arg3[%dma_start3A_74, %dma_start3A_75] : memref<2600000x32xf32, #tpu.memory_space<hbm>> -> memref<2600000x32xf32, #tpu.memory_space<hbm>>
    tpu.enqueue_indirect_dma source(%dma_start3A_76 : memref<2600000x32xf32, #tpu.memory_space<hbm>>) target(%dma_start3A_71 : memref<128x32xf32, #tpu.memory_space<vmem>>) offsets(%dma_start3A_73 : memref<128xi32, #tpu.memory_space<vmem>>) semaphore(%arg10 : memref<!tpu.dma_semaphore, #tpu.memory_space<semaphore_mem>>)
    %dma_start3A_77 = arith.constant 1024 : i32
    %dma_start3A_78 = arith.constant 0 : i32
    %dma_start3A_79 = tpu.memref_slice %arg8[%dma_start3A_77, %dma_start3A_78] : memref<1664x32xf32, #tpu.memory_space<vmem>> -> memref<128x32xf32, #tpu.memory_space<vmem>>
    %dma_start3A_80 = arith.constant 1024 : i32
    %dma_start3A_81 = tpu.memref_slice %arg5[%dma_start3A_80] : memref<1664xi32, #tpu.memory_space<vmem>> -> memref<128xi32, #tpu.memory_space<vmem>>
    %dma_start3A_82 = arith.constant 0 : i32
    %dma_start3A_83 = arith.constant 0 : i32
    %dma_start3A_84 = tpu.memref_slice %arg3[%dma_start3A_82, %dma_start3A_83] : memref<2600000x32xf32, #tpu.memory_space<hbm>> -> memref<2600000x32xf32, #tpu.memory_space<hbm>>
    tpu.enqueue_indirect_dma source(%dma_start3A_84 : memref<2600000x32xf32, #tpu.memory_space<hbm>>) target(%dma_start3A_79 : memref<128x32xf32, #tpu.memory_space<vmem>>) offsets(%dma_start3A_81 : memref<128xi32, #tpu.memory_space<vmem>>) semaphore(%arg10 : memref<!tpu.dma_semaphore, #tpu.memory_space<semaphore_mem>>)
    %dma_start3A_85 = arith.constant 1152 : i32
    %dma_start3A_86 = arith.constant 0 : i32
    %dma_start3A_87 = tpu.memref_slice %arg8[%dma_start3A_85, %dma_start3A_86] : memref<1664x32xf32, #tpu.memory_space<vmem>> -> memref<128x32xf32, #tpu.memory_space<vmem>>
    %dma_start3A_88 = arith.constant 1152 : i32
    %dma_start3A_89 = tpu.memref_slice %arg5[%dma_start3A_88] : memref<1664xi32, #tpu.memory_space<vmem>> -> memref<128xi32, #tpu.memory_space<vmem>>
    %dma_start3A_90 = arith.constant 0 : i32
    %dma_start3A_91 = arith.constant 0 : i32
    %dma_start3A_92 = tpu.memref_slice %arg3[%dma_start3A_90, %dma_start3A_91] : memref<2600000x32xf32, #tpu.memory_space<hbm>> -> memref<2600000x32xf32, #tpu.memory_space<hbm>>
    tpu.enqueue_indirect_dma source(%dma_start3A_92 : memref<2600000x32xf32, #tpu.memory_space<hbm>>) target(%dma_start3A_87 : memref<128x32xf32, #tpu.memory_space<vmem>>) offsets(%dma_start3A_89 : memref<128xi32, #tpu.memory_space<vmem>>) semaphore(%arg10 : memref<!tpu.dma_semaphore, #tpu.memory_space<semaphore_mem>>)
    %dma_start3A_93 = arith.constant 1280 : i32
    %dma_start3A_94 = arith.constant 0 : i32
    %dma_start3A_95 = tpu.memref_slice %arg8[%dma_start3A_93, %dma_start3A_94] : memref<1664x32xf32, #tpu.memory_space<vmem>> -> memref<128x32xf32, #tpu.memory_space<vmem>>
    %dma_start3A_96 = arith.constant 1280 : i32
    %dma_start3A_97 = tpu.memref_slice %arg5[%dma_start3A_96] : memref<1664xi32, #tpu.memory_space<vmem>> -> memref<128xi32, #tpu.memory_space<vmem>>
    %dma_start3A_98 = arith.constant 0 : i32
    %dma_start3A_99 = arith.constant 0 : i32
    %dma_start3A_100 = tpu.memref_slice %arg3[%dma_start3A_98, %dma_start3A_99] : memref<2600000x32xf32, #tpu.memory_space<hbm>> -> memref<2600000x32xf32, #tpu.memory_space<hbm>>
    tpu.enqueue_indirect_dma source(%dma_start3A_100 : memref<2600000x32xf32, #tpu.memory_space<hbm>>) target(%dma_start3A_95 : memref<128x32xf32, #tpu.memory_space<vmem>>) offsets(%dma_start3A_97 : memref<128xi32, #tpu.memory_space<vmem>>) semaphore(%arg10 : memref<!tpu.dma_semaphore, #tpu.memory_space<semaphore_mem>>)
    %dma_start3A_101 = arith.constant 1408 : i32
    %dma_start3A_102 = arith.constant 0 : i32
    %dma_start3A_103 = tpu.memref_slice %arg8[%dma_start3A_101, %dma_start3A_102] : memref<1664x32xf32, #tpu.memory_space<vmem>> -> memref<128x32xf32, #tpu.memory_space<vmem>>
    %dma_start3A_104 = arith.constant 1408 : i32
    %dma_start3A_105 = tpu.memref_slice %arg5[%dma_start3A_104] : memref<1664xi32, #tpu.memory_space<vmem>> -> memref<128xi32, #tpu.memory_space<vmem>>
    %dma_start3A_106 = arith.constant 0 : i32
    %dma_start3A_107 = arith.constant 0 : i32
    %dma_start3A_108 = tpu.memref_slice %arg3[%dma_start3A_106, %dma_start3A_107] : memref<2600000x32xf32, #tpu.memory_space<hbm>> -> memref<2600000x32xf32, #tpu.memory_space<hbm>>
    tpu.enqueue_indirect_dma source(%dma_start3A_108 : memref<2600000x32xf32, #tpu.memory_space<hbm>>) target(%dma_start3A_103 : memref<128x32xf32, #tpu.memory_space<vmem>>) offsets(%dma_start3A_105 : memref<128xi32, #tpu.memory_space<vmem>>) semaphore(%arg10 : memref<!tpu.dma_semaphore, #tpu.memory_space<semaphore_mem>>)
    %dma_start3A_109 = arith.constant 1536 : i32
    %dma_start3A_110 = arith.constant 0 : i32
    %dma_start3A_111 = tpu.memref_slice %arg8[%dma_start3A_109, %dma_start3A_110] : memref<1664x32xf32, #tpu.memory_space<vmem>> -> memref<128x32xf32, #tpu.memory_space<vmem>>
    %dma_start3A_112 = arith.constant 1536 : i32
    %dma_start3A_113 = tpu.memref_slice %arg5[%dma_start3A_112] : memref<1664xi32, #tpu.memory_space<vmem>> -> memref<128xi32, #tpu.memory_space<vmem>>
    %dma_start3A_114 = arith.constant 0 : i32
    %dma_start3A_115 = arith.constant 0 : i32
    %dma_start3A_116 = tpu.memref_slice %arg3[%dma_start3A_114, %dma_start3A_115] : memref<2600000x32xf32, #tpu.memory_space<hbm>> -> memref<2600000x32xf32, #tpu.memory_space<hbm>>
    tpu.enqueue_indirect_dma source(%dma_start3A_116 : memref<2600000x32xf32, #tpu.memory_space<hbm>>) target(%dma_start3A_111 : memref<128x32xf32, #tpu.memory_space<vmem>>) offsets(%dma_start3A_113 : memref<128xi32, #tpu.memory_space<vmem>>) semaphore(%arg10 : memref<!tpu.dma_semaphore, #tpu.memory_space<semaphore_mem>>)
    %add3A_117 = arith.constant 1664 : i32
    %add3A_118 = arith.addi %mul3A_2, %add3A_117 : i32
    "tpu.region"() ({
      %run_scoped3A = tpu.sem_alloc : memref<!tpu.dma_semaphore, #tpu.memory_space<semaphore_mem>>
      %dma_start3A_268 = tpu.memref_slice %arg2[%add3A_118] : memref<1064960xi32, #tpu.memory_space<hbm>> -> memref<1664xi32, #tpu.memory_space<hbm>>
      %dma_start3A_269 = tpu.memref_slice %arg2[%add3A_118] : memref<1064960xi32, #tpu.memory_space<hbm>> -> memref<1664xi32, #tpu.memory_space<hbm>>
      tpu.enqueue_dma source(%dma_start3A_269 : memref<1664xi32, #tpu.memory_space<hbm>>) target(%arg6 : memref<1664xi32, #tpu.memory_space<vmem>>) target_semaphore(%run_scoped3A : memref<!tpu.dma_semaphore, #tpu.memory_space<semaphore_mem>>)
      %dma_wait3A_270 = tpu.memref_slice %arg2[%add3A_118] : memref<1064960xi32, #tpu.memory_space<hbm>> -> memref<1664xi32, #tpu.memory_space<hbm>>
      %dma_wait3A_271 = tpu.memref_slice %arg2[%add3A_118] : memref<1064960xi32, #tpu.memory_space<hbm>> -> memref<1664xi32, #tpu.memory_space<hbm>>
      tpu.wait_dma2 semaphore(%run_scoped3A : memref<!tpu.dma_semaphore, #tpu.memory_space<semaphore_mem>>) src(%dma_wait3A_271 : memref<1664xi32, #tpu.memory_space<hbm>>) dst(%arg6 : memref<1664xi32, #tpu.memory_space<vmem>>)
      tpu.yield
    }) : () -> ()
    %scan3A_119 = arith.constant 0 : i32
    %scan3A_120 = arith.constant 104 : i32
    %scan3A_121 = arith.addi %scan3A_119, %scan3A_120 : i32
    %scan3A_122 = arith.constant 1 : i32
    scf.for %scan3A_268 = %scan3A_119 to %scan3A_121 step %scan3A_122  : i32 {
      %mul3A_269 = arith.constant 1 : i32
      %mul3A_270 = arith.muli %scan3A_268, %mul3A_269 : i32
      %add3A_271 = arith.constant 0 : i32
      %add3A_272 = arith.addi %add3A_271, %mul3A_270 : i32
      %mul3A_273 = arith.constant 16 : i32
      %mul3A_274 = arith.muli %add3A_272, %mul3A_273 : i32
      %get3A = arith.index_cast %mul3A_274 : i32 to index
      %get3A_275 = tpu.vector_load %arg6[%get3A] {strides = array<i32>} : memref<1664xi32, #tpu.memory_space<vmem>>, vector<16xi32>,
      %get3A_276 = vector.shape_cast %get3A_275 : vector<16xi32> to vector<16xi32>
      %mul3A_277 = arith.constant 16 : i32
      %mul3A_278 = arith.muli %add3A_272, %mul3A_277 : i32
      %get3A_279 = arith.index_cast %mul3A_278 : i32 to index
      %get3A_280 = tpu.vector_load %arg7[%get3A_279] {strides = array<i32>} : memref<1664xi32, #tpu.memory_space<vmem>>, vector<16xi32>,
      %get3A_281 = vector.shape_cast %get3A_280 : vector<16xi32> to vector<16xi32>
      %add3A_282 = arith.addi %get3A_276, %get3A_281 : vector<16xi32>
      %mul3A_283 = arith.constant 16 : i32
      %mul3A_284 = arith.muli %add3A_272, %mul3A_283 : i32
      %swap3A = arith.index_cast %mul3A_284 : i32 to index
      %swap3A_285 = tpu.vector_load %arg6[%swap3A] {strides = array<i32>} : memref<1664xi32, #tpu.memory_space<vmem>>, vector<16xi32>,
      %swap3A_286 = vector.shape_cast %swap3A_285 : vector<16xi32> to vector<16xi32>
      %swap3A_287 = vector.shape_cast %add3A_282 : vector<16xi32> to vector<16xi32>
      tpu.vector_store %arg6[%swap3A], %swap3A_287 {strides = array<i32>} : memref<1664xi32, #tpu.memory_space<vmem>>, vector<16xi32>,
    }
    %scan3A_123 = arith.constant 104 : i32
    %dma_start3A_124 = arith.constant 0 : i32
    %dma_start3A_125 = arith.constant 0 : i32
    %dma_start3A_126 = tpu.memref_slice %arg9[%dma_start3A_124, %dma_start3A_125] : memref<1664x32xf32, #tpu.memory_space<vmem>> -> memref<128x32xf32, #tpu.memory_space<vmem>>
    %dma_start3A_127 = arith.constant 0 : i32
    %dma_start3A_128 = tpu.memref_slice %arg6[%dma_start3A_127] : memref<1664xi32, #tpu.memory_space<vmem>> -> memref<128xi32, #tpu.memory_space<vmem>>
    %dma_start3A_129 = arith.constant 0 : i32
    %dma_start3A_130 = arith.constant 0 : i32
    %dma_start3A_131 = tpu.memref_slice %arg3[%dma_start3A_129, %dma_start3A_130] : memref<2600000x32xf32, #tpu.memory_space<hbm>> -> memref<2600000x32xf32, #tpu.memory_space<hbm>>
    tpu.enqueue_indirect_dma source(%dma_start3A_131 : memref<2600000x32xf32, #tpu.memory_space<hbm>>) target(%dma_start3A_126 : memref<128x32xf32, #tpu.memory_space<vmem>>) offsets(%dma_start3A_128 : memref<128xi32, #tpu.memory_space<vmem>>) semaphore(%arg11 : memref<!tpu.dma_semaphore, #tpu.memory_space<semaphore_mem>>)
    %dma_start3A_132 = arith.constant 128 : i32
    %dma_start3A_133 = arith.constant 0 : i32
    %dma_start3A_134 = tpu.memref_slice %arg9[%dma_start3A_132, %dma_start3A_133] : memref<1664x32xf32, #tpu.memory_space<vmem>> -> memref<128x32xf32, #tpu.memory_space<vmem>>
    %dma_start3A_135 = arith.constant 128 : i32
    %dma_start3A_136 = tpu.memref_slice %arg6[%dma_start3A_135] : memref<1664xi32, #tpu.memory_space<vmem>> -> memref<128xi32, #tpu.memory_space<vmem>>
    %dma_start3A_137 = arith.constant 0 : i32
    %dma_start3A_138 = arith.constant 0 : i32
    %dma_start3A_139 = tpu.memref_slice %arg3[%dma_start3A_137, %dma_start3A_138] : memref<2600000x32xf32, #tpu.memory_space<hbm>> -> memref<2600000x32xf32, #tpu.memory_space<hbm>>
    tpu.enqueue_indirect_dma source(%dma_start3A_139 : memref<2600000x32xf32, #tpu.memory_space<hbm>>) target(%dma_start3A_134 : memref<128x32xf32, #tpu.memory_space<vmem>>) offsets(%dma_start3A_136 : memref<128xi32, #tpu.memory_space<vmem>>) semaphore(%arg11 : memref<!tpu.dma_semaphore, #tpu.memory_space<semaphore_mem>>)
    %dma_start3A_140 = arith.constant 256 : i32
    %dma_start3A_141 = arith.constant 0 : i32
    %dma_start3A_142 = tpu.memref_slice %arg9[%dma_start3A_140, %dma_start3A_141] : memref<1664x32xf32, #tpu.memory_space<vmem>> -> memref<128x32xf32, #tpu.memory_space<vmem>>
    %dma_start3A_143 = arith.constant 256 : i32
    %dma_start3A_144 = tpu.memref_slice %arg6[%dma_start3A_143] : memref<1664xi32, #tpu.memory_space<vmem>> -> memref<128xi32, #tpu.memory_space<vmem>>
    %dma_start3A_145 = arith.constant 0 : i32
    %dma_start3A_146 = arith.constant 0 : i32
    %dma_start3A_147 = tpu.memref_slice %arg3[%dma_start3A_145, %dma_start3A_146] : memref<2600000x32xf32, #tpu.memory_space<hbm>> -> memref<2600000x32xf32, #tpu.memory_space<hbm>>
    tpu.enqueue_indirect_dma source(%dma_start3A_147 : memref<2600000x32xf32, #tpu.memory_space<hbm>>) target(%dma_start3A_142 : memref<128x32xf32, #tpu.memory_space<vmem>>) offsets(%dma_start3A_144 : memref<128xi32, #tpu.memory_space<vmem>>) semaphore(%arg11 : memref<!tpu.dma_semaphore, #tpu.memory_space<semaphore_mem>>)
    %dma_start3A_148 = arith.constant 384 : i32
    %dma_start3A_149 = arith.constant 0 : i32
    %dma_start3A_150 = tpu.memref_slice %arg9[%dma_start3A_148, %dma_start3A_149] : memref<1664x32xf32, #tpu.memory_space<vmem>> -> memref<128x32xf32, #tpu.memory_space<vmem>>
    %dma_start3A_151 = arith.constant 384 : i32
    %dma_start3A_152 = tpu.memref_slice %arg6[%dma_start3A_151] : memref<1664xi32, #tpu.memory_space<vmem>> -> memref<128xi32, #tpu.memory_space<vmem>>
    %dma_start3A_153 = arith.constant 0 : i32
    %dma_start3A_154 = arith.constant 0 : i32
    %dma_start3A_155 = tpu.memref_slice %arg3[%dma_start3A_153, %dma_start3A_154] : memref<2600000x32xf32, #tpu.memory_space<hbm>> -> memref<2600000x32xf32, #tpu.memory_space<hbm>>
    tpu.enqueue_indirect_dma source(%dma_start3A_155 : memref<2600000x32xf32, #tpu.memory_space<hbm>>) target(%dma_start3A_150 : memref<128x32xf32, #tpu.memory_space<vmem>>) offsets(%dma_start3A_152 : memref<128xi32, #tpu.memory_space<vmem>>) semaphore(%arg11 : memref<!tpu.dma_semaphore, #tpu.memory_space<semaphore_mem>>)
    %dma_start3A_156 = arith.constant 512 : i32
    %dma_start3A_157 = arith.constant 0 : i32
    %dma_start3A_158 = tpu.memref_slice %arg9[%dma_start3A_156, %dma_start3A_157] : memref<1664x32xf32, #tpu.memory_space<vmem>> -> memref<128x32xf32, #tpu.memory_space<vmem>>
    %dma_start3A_159 = arith.constant 512 : i32
    %dma_start3A_160 = tpu.memref_slice %arg6[%dma_start3A_159] : memref<1664xi32, #tpu.memory_space<vmem>> -> memref<128xi32, #tpu.memory_space<vmem>>
    %dma_start3A_161 = arith.constant 0 : i32
    %dma_start3A_162 = arith.constant 0 : i32
    %dma_start3A_163 = tpu.memref_slice %arg3[%dma_start3A_161, %dma_start3A_162] : memref<2600000x32xf32, #tpu.memory_space<hbm>> -> memref<2600000x32xf32, #tpu.memory_space<hbm>>
    tpu.enqueue_indirect_dma source(%dma_start3A_163 : memref<2600000x32xf32, #tpu.memory_space<hbm>>) target(%dma_start3A_158 : memref<128x32xf32, #tpu.memory_space<vmem>>) offsets(%dma_start3A_160 : memref<128xi32, #tpu.memory_space<vmem>>) semaphore(%arg11 : memref<!tpu.dma_semaphore, #tpu.memory_space<semaphore_mem>>)
    %dma_start3A_164 = arith.constant 640 : i32
    %dma_start3A_165 = arith.constant 0 : i32
    %dma_start3A_166 = tpu.memref_slice %arg9[%dma_start3A_164, %dma_start3A_165] : memref<1664x32xf32, #tpu.memory_space<vmem>> -> memref<128x32xf32, #tpu.memory_space<vmem>>
    %dma_start3A_167 = arith.constant 640 : i32
    %dma_start3A_168 = tpu.memref_slice %arg6[%dma_start3A_167] : memref<1664xi32, #tpu.memory_space<vmem>> -> memref<128xi32, #tpu.memory_space<vmem>>
    %dma_start3A_169 = arith.constant 0 : i32
    %dma_start3A_170 = arith.constant 0 : i32
    %dma_start3A_171 = tpu.memref_slice %arg3[%dma_start3A_169, %dma_start3A_170] : memref<2600000x32xf32, #tpu.memory_space<hbm>> -> memref<2600000x32xf32, #tpu.memory_space<hbm>>
    tpu.enqueue_indirect_dma source(%dma_start3A_171 : memref<2600000x32xf32, #tpu.memory_space<hbm>>) target(%dma_start3A_166 : memref<128x32xf32, #tpu.memory_space<vmem>>) offsets(%dma_start3A_168 : memref<128xi32, #tpu.memory_space<vmem>>) semaphore(%arg11 : memref<!tpu.dma_semaphore, #tpu.memory_space<semaphore_mem>>)
    %dma_start3A_172 = arith.constant 768 : i32
    %dma_start3A_173 = arith.constant 0 : i32
    %dma_start3A_174 = tpu.memref_slice %arg9[%dma_start3A_172, %dma_start3A_173] : memref<1664x32xf32, #tpu.memory_space<vmem>> -> memref<128x32xf32, #tpu.memory_space<vmem>>
    %dma_start3A_175 = arith.constant 768 : i32
    %dma_start3A_176 = tpu.memref_slice %arg6[%dma_start3A_175] : memref<1664xi32, #tpu.memory_space<vmem>> -> memref<128xi32, #tpu.memory_space<vmem>>
    %dma_start3A_177 = arith.constant 0 : i32
    %dma_start3A_178 = arith.constant 0 : i32
    %dma_start3A_179 = tpu.memref_slice %arg3[%dma_start3A_177, %dma_start3A_178] : memref<2600000x32xf32, #tpu.memory_space<hbm>> -> memref<2600000x32xf32, #tpu.memory_space<hbm>>
    tpu.enqueue_indirect_dma source(%dma_start3A_179 : memref<2600000x32xf32, #tpu.memory_space<hbm>>) target(%dma_start3A_174 : memref<128x32xf32, #tpu.memory_space<vmem>>) offsets(%dma_start3A_176 : memref<128xi32, #tpu.memory_space<vmem>>) semaphore(%arg11 : memref<!tpu.dma_semaphore, #tpu.memory_space<semaphore_mem>>)
    %dma_start3A_180 = arith.constant 896 : i32
    %dma_start3A_181 = arith.constant 0 : i32
    %dma_start3A_182 = tpu.memref_slice %arg9[%dma_start3A_180, %dma_start3A_181] : memref<1664x32xf32, #tpu.memory_space<vmem>> -> memref<128x32xf32, #tpu.memory_space<vmem>>
    %dma_start3A_183 = arith.constant 896 : i32
    %dma_start3A_184 = tpu.memref_slice %arg6[%dma_start3A_183] : memref<1664xi32, #tpu.memory_space<vmem>> -> memref<128xi32, #tpu.memory_space<vmem>>
    %dma_start3A_185 = arith.constant 0 : i32
    %dma_start3A_186 = arith.constant 0 : i32
    %dma_start3A_187 = tpu.memref_slice %arg3[%dma_start3A_185, %dma_start3A_186] : memref<2600000x32xf32, #tpu.memory_space<hbm>> -> memref<2600000x32xf32, #tpu.memory_space<hbm>>
    tpu.enqueue_indirect_dma source(%dma_start3A_187 : memref<2600000x32xf32, #tpu.memory_space<hbm>>) target(%dma_start3A_182 : memref<128x32xf32, #tpu.memory_space<vmem>>) offsets(%dma_start3A_184 : memref<128xi32, #tpu.memory_space<vmem>>) semaphore(%arg11 : memref<!tpu.dma_semaphore, #tpu.memory_space<semaphore_mem>>)
    %dma_start3A_188 = arith.constant 1024 : i32
    %dma_start3A_189 = arith.constant 0 : i32
    %dma_start3A_190 = tpu.memref_slice %arg9[%dma_start3A_188, %dma_start3A_189] : memref<1664x32xf32, #tpu.memory_space<vmem>> -> memref<128x32xf32, #tpu.memory_space<vmem>>
    %dma_start3A_191 = arith.constant 1024 : i32
    %dma_start3A_192 = tpu.memref_slice %arg6[%dma_start3A_191] : memref<1664xi32, #tpu.memory_space<vmem>> -> memref<128xi32, #tpu.memory_space<vmem>>
    %dma_start3A_193 = arith.constant 0 : i32
    %dma_start3A_194 = arith.constant 0 : i32
    %dma_start3A_195 = tpu.memref_slice %arg3[%dma_start3A_193, %dma_start3A_194] : memref<2600000x32xf32, #tpu.memory_space<hbm>> -> memref<2600000x32xf32, #tpu.memory_space<hbm>>
    tpu.enqueue_indirect_dma source(%dma_start3A_195 : memref<2600000x32xf32, #tpu.memory_space<hbm>>) target(%dma_start3A_190 : memref<128x32xf32, #tpu.memory_space<vmem>>) offsets(%dma_start3A_192 : memref<128xi32, #tpu.memory_space<vmem>>) semaphore(%arg11 : memref<!tpu.dma_semaphore, #tpu.memory_space<semaphore_mem>>)
    %dma_start3A_196 = arith.constant 1152 : i32
    %dma_start3A_197 = arith.constant 0 : i32
    %dma_start3A_198 = tpu.memref_slice %arg9[%dma_start3A_196, %dma_start3A_197] : memref<1664x32xf32, #tpu.memory_space<vmem>> -> memref<128x32xf32, #tpu.memory_space<vmem>>
    %dma_start3A_199 = arith.constant 1152 : i32
    %dma_start3A_200 = tpu.memref_slice %arg6[%dma_start3A_199] : memref<1664xi32, #tpu.memory_space<vmem>> -> memref<128xi32, #tpu.memory_space<vmem>>
    %dma_start3A_201 = arith.constant 0 : i32
    %dma_start3A_202 = arith.constant 0 : i32
    %dma_start3A_203 = tpu.memref_slice %arg3[%dma_start3A_201, %dma_start3A_202] : memref<2600000x32xf32, #tpu.memory_space<hbm>> -> memref<2600000x32xf32, #tpu.memory_space<hbm>>
    tpu.enqueue_indirect_dma source(%dma_start3A_203 : memref<2600000x32xf32, #tpu.memory_space<hbm>>) target(%dma_start3A_198 : memref<128x32xf32, #tpu.memory_space<vmem>>) offsets(%dma_start3A_200 : memref<128xi32, #tpu.memory_space<vmem>>) semaphore(%arg11 : memref<!tpu.dma_semaphore, #tpu.memory_space<semaphore_mem>>)
    %dma_start3A_204 = arith.constant 1280 : i32
    %dma_start3A_205 = arith.constant 0 : i32
    %dma_start3A_206 = tpu.memref_slice %arg9[%dma_start3A_204, %dma_start3A_205] : memref<1664x32xf32, #tpu.memory_space<vmem>> -> memref<128x32xf32, #tpu.memory_space<vmem>>
    %dma_start3A_207 = arith.constant 1280 : i32
    %dma_start3A_208 = tpu.memref_slice %arg6[%dma_start3A_207] : memref<1664xi32, #tpu.memory_space<vmem>> -> memref<128xi32, #tpu.memory_space<vmem>>
    %dma_start3A_209 = arith.constant 0 : i32
    %dma_start3A_210 = arith.constant 0 : i32
    %dma_start3A_211 = tpu.memref_slice %arg3[%dma_start3A_209, %dma_start3A_210] : memref<2600000x32xf32, #tpu.memory_space<hbm>> -> memref<2600000x32xf32, #tpu.memory_space<hbm>>
    tpu.enqueue_indirect_dma source(%dma_start3A_211 : memref<2600000x32xf32, #tpu.memory_space<hbm>>) target(%dma_start3A_206 : memref<128x32xf32, #tpu.memory_space<vmem>>) offsets(%dma_start3A_208 : memref<128xi32, #tpu.memory_space<vmem>>) semaphore(%arg11 : memref<!tpu.dma_semaphore, #tpu.memory_space<semaphore_mem>>)
    %dma_start3A_212 = arith.constant 1408 : i32
    %dma_start3A_213 = arith.constant 0 : i32
    %dma_start3A_214 = tpu.memref_slice %arg9[%dma_start3A_212, %dma_start3A_213] : memref<1664x32xf32, #tpu.memory_space<vmem>> -> memref<128x32xf32, #tpu.memory_space<vmem>>
    %dma_start3A_215 = arith.constant 1408 : i32
    %dma_start3A_216 = tpu.memref_slice %arg6[%dma_start3A_215] : memref<1664xi32, #tpu.memory_space<vmem>> -> memref<128xi32, #tpu.memory_space<vmem>>
    %dma_start3A_217 = arith.constant 0 : i32
    %dma_start3A_218 = arith.constant 0 : i32
    %dma_start3A_219 = tpu.memref_slice %arg3[%dma_start3A_217, %dma_start3A_218] : memref<2600000x32xf32, #tpu.memory_space<hbm>> -> memref<2600000x32xf32, #tpu.memory_space<hbm>>
    tpu.enqueue_indirect_dma source(%dma_start3A_219 : memref<2600000x32xf32, #tpu.memory_space<hbm>>) target(%dma_start3A_214 : memref<128x32xf32, #tpu.memory_space<vmem>>) offsets(%dma_start3A_216 : memref<128xi32, #tpu.memory_space<vmem>>) semaphore(%arg11 : memref<!tpu.dma_semaphore, #tpu.memory_space<semaphore_mem>>)
    %dma_start3A_220 = arith.constant 1536 : i32
    %dma_start3A_221 = arith.constant 0 : i32
    %dma_start3A_222 = tpu.memref_slice %arg9[%dma_start3A_220, %dma_start3A_221] : memref<1664x32xf32, #tpu.memory_space<vmem>> -> memref<128x32xf32, #tpu.memory_space<vmem>>
    %dma_start3A_223 = arith.constant 1536 : i32
    %dma_start3A_224 = tpu.memref_slice %arg6[%dma_start3A_223] : memref<1664xi32, #tpu.memory_space<vmem>> -> memref<128xi32, #tpu.memory_space<vmem>>
    %dma_start3A_225 = arith.constant 0 : i32
    %dma_start3A_226 = arith.constant 0 : i32
    %dma_start3A_227 = tpu.memref_slice %arg3[%dma_start3A_225, %dma_start3A_226] : memref<2600000x32xf32, #tpu.memory_space<hbm>> -> memref<2600000x32xf32, #tpu.memory_space<hbm>>
    tpu.enqueue_indirect_dma source(%dma_start3A_227 : memref<2600000x32xf32, #tpu.memory_space<hbm>>) target(%dma_start3A_222 : memref<128x32xf32, #tpu.memory_space<vmem>>) offsets(%dma_start3A_224 : memref<128xi32, #tpu.memory_space<vmem>>) semaphore(%arg11 : memref<!tpu.dma_semaphore, #tpu.memory_space<semaphore_mem>>)
    %scan3A_228 = arith.constant 0 : i32
    %scan3A_229 = arith.constant 9 : i32
    %scan3A_230 = arith.addi %scan3A_228, %scan3A_229 : i32
    %scan3A_231 = arith.constant 1 : i32
    scf.for %scan3A_268 = %scan3A_228 to %scan3A_230 step %scan3A_231  : i32 {
      %mul3A_269 = arith.constant 1 : i32
      %mul3A_270 = arith.muli %scan3A_268, %mul3A_269 : i32
      %add3A_271 = arith.constant 0 : i32
      %add3A_272 = arith.addi %add3A_271, %mul3A_270 : i32
      %mul3A_273 = arith.constant 2 : i32
      %mul3A_274 = arith.muli %mul3A_273, %add3A_272 : i32
      %dma_wait3A_275 = arith.constant 0 : i32
      %dma_wait3A_276 = arith.constant 0 : i32
      %dma_wait3A_277 = tpu.memref_slice %arg4[%dma_wait3A_275, %dma_wait3A_276] : memref<1064960x32xf32, #tpu.memory_space<hbm>> -> memref<1664x32xf32, #tpu.memory_space<hbm>>
      %dma_wait3A_278 = arith.constant 0 : i32
      %dma_wait3A_279 = arith.constant 0 : i32
      %dma_wait3A_280 = tpu.memref_slice %arg4[%dma_wait3A_278, %dma_wait3A_279] : memref<1064960x32xf32, #tpu.memory_space<hbm>> -> memref<1664x32xf32, #tpu.memory_space<hbm>>
      tpu.wait_dma2 semaphore(%arg10 : memref<!tpu.dma_semaphore, #tpu.memory_space<semaphore_mem>>) src(%dma_wait3A_280 : memref<1664x32xf32, #tpu.memory_space<hbm>>) dst(%arg8 : memref<1664x32xf32, #tpu.memory_space<vmem>>)
      %mul3A_281 = arith.constant 1664 : i32
      %mul3A_282 = arith.muli %mul3A_274, %mul3A_281 : i32
      %add3A_283 = arith.addi %mul3A_2, %mul3A_282 : i32
      %dma_start3A_284 = arith.constant 0 : i32
      %dma_start3A_285 = tpu.memref_slice %arg4[%add3A_283, %dma_start3A_284] : memref<1064960x32xf32, #tpu.memory_space<hbm>> -> memref<1664x32xf32, #tpu.memory_space<hbm>>
      %dma_start3A_286 = arith.constant 0 : i32
      %dma_start3A_287 = tpu.memref_slice %arg4[%add3A_283, %dma_start3A_286] : memref<1064960x32xf32, #tpu.memory_space<hbm>> -> memref<1664x32xf32, #tpu.memory_space<hbm>>
      tpu.enqueue_dma source(%arg8 : memref<1664x32xf32, #tpu.memory_space<vmem>>) target(%dma_start3A_287 : memref<1664x32xf32, #tpu.memory_space<hbm>>) target_semaphore(%arg12 : memref<!tpu.dma_semaphore, #tpu.memory_space<semaphore_mem>>)
      %add3A_288 = arith.constant 2 : i32
      %add3A_289 = arith.addi %mul3A_274, %add3A_288 : i32
      %mul3A_290 = arith.constant 1664 : i32
      %mul3A_291 = arith.muli %add3A_289, %mul3A_290 : i32
      %add3A_292 = arith.addi %mul3A_2, %mul3A_291 : i32
      "tpu.region"() ({
        %run_scoped3A = tpu.sem_alloc : memref<!tpu.dma_semaphore, #tpu.memory_space<semaphore_mem>>
        %dma_start3A_543 = tpu.memref_slice %arg2[%add3A_292] : memref<1064960xi32, #tpu.memory_space<hbm>> -> memref<1664xi32, #tpu.memory_space<hbm>>
        %dma_start3A_544 = tpu.memref_slice %arg2[%add3A_292] : memref<1064960xi32, #tpu.memory_space<hbm>> -> memref<1664xi32, #tpu.memory_space<hbm>>
        tpu.enqueue_dma source(%dma_start3A_544 : memref<1664xi32, #tpu.memory_space<hbm>>) target(%arg5 : memref<1664xi32, #tpu.memory_space<vmem>>) target_semaphore(%run_scoped3A : memref<!tpu.dma_semaphore, #tpu.memory_space<semaphore_mem>>)
        %dma_wait3A_545 = tpu.memref_slice %arg2[%add3A_292] : memref<1064960xi32, #tpu.memory_space<hbm>> -> memref<1664xi32, #tpu.memory_space<hbm>>
        %dma_wait3A_546 = tpu.memref_slice %arg2[%add3A_292] : memref<1064960xi32, #tpu.memory_space<hbm>> -> memref<1664xi32, #tpu.memory_space<hbm>>
        tpu.wait_dma2 semaphore(%run_scoped3A : memref<!tpu.dma_semaphore, #tpu.memory_space<semaphore_mem>>) src(%dma_wait3A_546 : memref<1664xi32, #tpu.memory_space<hbm>>) dst(%arg5 : memref<1664xi32, #tpu.memory_space<vmem>>)
        tpu.yield
      }) : () -> ()
      %scan3A_293 = arith.constant 0 : i32
      %scan3A_294 = arith.constant 104 : i32
      %scan3A_295 = arith.addi %scan3A_293, %scan3A_294 : i32
      %scan3A_296 = arith.constant 1 : i32
      scf.for %scan3A_543 = %scan3A_293 to %scan3A_295 step %scan3A_296  : i32 {
        %mul3A_544 = arith.constant 1 : i32
        %mul3A_545 = arith.muli %scan3A_543, %mul3A_544 : i32
        %add3A_546 = arith.constant 0 : i32
        %add3A_547 = arith.addi %add3A_546, %mul3A_545 : i32
        %mul3A_548 = arith.constant 16 : i32
        %mul3A_549 = arith.muli %add3A_547, %mul3A_548 : i32
        %get3A = arith.index_cast %mul3A_549 : i32 to index
        %get3A_550 = tpu.vector_load %arg5[%get3A] {strides = array<i32>} : memref<1664xi32, #tpu.memory_space<vmem>>, vector<16xi32>,
        %get3A_551 = vector.shape_cast %get3A_550 : vector<16xi32> to vector<16xi32>
        %mul3A_552 = arith.constant 16 : i32
        %mul3A_553 = arith.muli %add3A_547, %mul3A_552 : i32
        %get3A_554 = arith.index_cast %mul3A_553 : i32 to index
        %get3A_555 = tpu.vector_load %arg7[%get3A_554] {strides = array<i32>} : memref<1664xi32, #tpu.memory_space<vmem>>, vector<16xi32>,
        %get3A_556 = vector.shape_cast %get3A_555 : vector<16xi32> to vector<16xi32>
        %add3A_557 = arith.addi %get3A_551, %get3A_556 : vector<16xi32>
        %mul3A_558 = arith.constant 16 : i32
        %mul3A_559 = arith.muli %add3A_547, %mul3A_558 : i32
        %swap3A = arith.index_cast %mul3A_559 : i32 to index
        %swap3A_560 = tpu.vector_load %arg5[%swap3A] {strides = array<i32>} : memref<1664xi32, #tpu.memory_space<vmem>>, vector<16xi32>,
        %swap3A_561 = vector.shape_cast %swap3A_560 : vector<16xi32> to vector<16xi32>
        %swap3A_562 = vector.shape_cast %add3A_557 : vector<16xi32> to vector<16xi32>
        tpu.vector_store %arg5[%swap3A], %swap3A_562 {strides = array<i32>} : memref<1664xi32, #tpu.memory_space<vmem>>, vector<16xi32>,
      }
      %scan3A_297 = arith.constant 104 : i32
      %dma_wait3A_298 = arith.constant 0 : i32
      %dma_wait3A_299 = arith.constant 0 : i32
      %dma_wait3A_300 = tpu.memref_slice %arg4[%dma_wait3A_298, %dma_wait3A_299] : memref<1064960x32xf32, #tpu.memory_space<hbm>> -> memref<1664x32xf32, #tpu.memory_space<hbm>>
      %dma_wait3A_301 = arith.constant 0 : i32
      %dma_wait3A_302 = arith.constant 0 : i32
      %dma_wait3A_303 = tpu.memref_slice %arg4[%dma_wait3A_301, %dma_wait3A_302] : memref<1064960x32xf32, #tpu.memory_space<hbm>> -> memref<1664x32xf32, #tpu.memory_space<hbm>>
      tpu.wait_dma2 semaphore(%arg12 : memref<!tpu.dma_semaphore, #tpu.memory_space<semaphore_mem>>) src(%arg8 : memref<1664x32xf32, #tpu.memory_space<vmem>>) dst(%dma_wait3A_303 : memref<1664x32xf32, #tpu.memory_space<hbm>>)
      %dma_start3A_304 = arith.constant 0 : i32
      %dma_start3A_305 = arith.constant 0 : i32
      %dma_start3A_306 = tpu.memref_slice %arg8[%dma_start3A_304, %dma_start3A_305] : memref<1664x32xf32, #tpu.memory_space<vmem>> -> memref<128x32xf32, #tpu.memory_space<vmem>>
      %dma_start3A_307 = arith.constant 0 : i32
      %dma_start3A_308 = tpu.memref_slice %arg5[%dma_start3A_307] : memref<1664xi32, #tpu.memory_space<vmem>> -> memref<128xi32, #tpu.memory_space<vmem>>
      %dma_start3A_309 = arith.constant 0 : i32
      %dma_start3A_310 = arith.constant 0 : i32
      %dma_start3A_311 = tpu.memref_slice %arg3[%dma_start3A_309, %dma_start3A_310] : memref<2600000x32xf32, #tpu.memory_space<hbm>> -> memref<2600000x32xf32, #tpu.memory_space<hbm>>
      tpu.enqueue_indirect_dma source(%dma_start3A_311 : memref<2600000x32xf32, #tpu.memory_space<hbm>>) target(%dma_start3A_306 : memref<128x32xf32, #tpu.memory_space<vmem>>) offsets(%dma_start3A_308 : memref<128xi32, #tpu.memory_space<vmem>>) semaphore(%arg10 : memref<!tpu.dma_semaphore, #tpu.memory_space<semaphore_mem>>)
      %dma_start3A_312 = arith.constant 128 : i32
      %dma_start3A_313 = arith.constant 0 : i32
      %dma_start3A_314 = tpu.memref_slice %arg8[%dma_start3A_312, %dma_start3A_313] : memref<1664x32xf32, #tpu.memory_space<vmem>> -> memref<128x32xf32, #tpu.memory_space<vmem>>
      %dma_start3A_315 = arith.constant 128 : i32
      %dma_start3A_316 = tpu.memref_slice %arg5[%dma_start3A_315] : memref<1664xi32, #tpu.memory_space<vmem>> -> memref<128xi32, #tpu.memory_space<vmem>>
      %dma_start3A_317 = arith.constant 0 : i32
      %dma_start3A_318 = arith.constant 0 : i32
      %dma_start3A_319 = tpu.memref_slice %arg3[%dma_start3A_317, %dma_start3A_318] : memref<2600000x32xf32, #tpu.memory_space<hbm>> -> memref<2600000x32xf32, #tpu.memory_space<hbm>>
      tpu.enqueue_indirect_dma source(%dma_start3A_319 : memref<2600000x32xf32, #tpu.memory_space<hbm>>) target(%dma_start3A_314 : memref<128x32xf32, #tpu.memory_space<vmem>>) offsets(%dma_start3A_316 : memref<128xi32, #tpu.memory_space<vmem>>) semaphore(%arg10 : memref<!tpu.dma_semaphore, #tpu.memory_space<semaphore_mem>>)
      %dma_start3A_320 = arith.constant 256 : i32
      %dma_start3A_321 = arith.constant 0 : i32
      %dma_start3A_322 = tpu.memref_slice %arg8[%dma_start3A_320, %dma_start3A_321] : memref<1664x32xf32, #tpu.memory_space<vmem>> -> memref<128x32xf32, #tpu.memory_space<vmem>>
      %dma_start3A_323 = arith.constant 256 : i32
      %dma_start3A_324 = tpu.memref_slice %arg5[%dma_start3A_323] : memref<1664xi32, #tpu.memory_space<vmem>> -> memref<128xi32, #tpu.memory_space<vmem>>
      %dma_start3A_325 = arith.constant 0 : i32
      %dma_start3A_326 = arith.constant 0 : i32
      %dma_start3A_327 = tpu.memref_slice %arg3[%dma_start3A_325, %dma_start3A_326] : memref<2600000x32xf32, #tpu.memory_space<hbm>> -> memref<2600000x32xf32, #tpu.memory_space<hbm>>
      tpu.enqueue_indirect_dma source(%dma_start3A_327 : memref<2600000x32xf32, #tpu.memory_space<hbm>>) target(%dma_start3A_322 : memref<128x32xf32, #tpu.memory_space<vmem>>) offsets(%dma_start3A_324 : memref<128xi32, #tpu.memory_space<vmem>>) semaphore(%arg10 : memref<!tpu.dma_semaphore, #tpu.memory_space<semaphore_mem>>)
      %dma_start3A_328 = arith.constant 384 : i32
      %dma_start3A_329 = arith.constant 0 : i32
      %dma_start3A_330 = tpu.memref_slice %arg8[%dma_start3A_328, %dma_start3A_329] : memref<1664x32xf32, #tpu.memory_space<vmem>> -> memref<128x32xf32, #tpu.memory_space<vmem>>
      %dma_start3A_331 = arith.constant 384 : i32
      %dma_start3A_332 = tpu.memref_slice %arg5[%dma_start3A_331] : memref<1664xi32, #tpu.memory_space<vmem>> -> memref<128xi32, #tpu.memory_space<vmem>>
      %dma_start3A_333 = arith.constant 0 : i32
      %dma_start3A_334 = arith.constant 0 : i32
      %dma_start3A_335 = tpu.memref_slice %arg3[%dma_start3A_333, %dma_start3A_334] : memref<2600000x32xf32, #tpu.memory_space<hbm>> -> memref<2600000x32xf32, #tpu.memory_space<hbm>>
      tpu.enqueue_indirect_dma source(%dma_start3A_335 : memref<2600000x32xf32, #tpu.memory_space<hbm>>) target(%dma_start3A_330 : memref<128x32xf32, #tpu.memory_space<vmem>>) offsets(%dma_start3A_332 : memref<128xi32, #tpu.memory_space<vmem>>) semaphore(%arg10 : memref<!tpu.dma_semaphore, #tpu.memory_space<semaphore_mem>>)
      %dma_start3A_336 = arith.constant 512 : i32
      %dma_start3A_337 = arith.constant 0 : i32
      %dma_start3A_338 = tpu.memref_slice %arg8[%dma_start3A_336, %dma_start3A_337] : memref<1664x32xf32, #tpu.memory_space<vmem>> -> memref<128x32xf32, #tpu.memory_space<vmem>>
      %dma_start3A_339 = arith.constant 512 : i32
      %dma_start3A_340 = tpu.memref_slice %arg5[%dma_start3A_339] : memref<1664xi32, #tpu.memory_space<vmem>> -> memref<128xi32, #tpu.memory_space<vmem>>
      %dma_start3A_341 = arith.constant 0 : i32
      %dma_start3A_342 = arith.constant 0 : i32
      %dma_start3A_343 = tpu.memref_slice %arg3[%dma_start3A_341, %dma_start3A_342] : memref<2600000x32xf32, #tpu.memory_space<hbm>> -> memref<2600000x32xf32, #tpu.memory_space<hbm>>
      tpu.enqueue_indirect_dma source(%dma_start3A_343 : memref<2600000x32xf32, #tpu.memory_space<hbm>>) target(%dma_start3A_338 : memref<128x32xf32, #tpu.memory_space<vmem>>) offsets(%dma_start3A_340 : memref<128xi32, #tpu.memory_space<vmem>>) semaphore(%arg10 : memref<!tpu.dma_semaphore, #tpu.memory_space<semaphore_mem>>)
      %dma_start3A_344 = arith.constant 640 : i32
      %dma_start3A_345 = arith.constant 0 : i32
      %dma_start3A_346 = tpu.memref_slice %arg8[%dma_start3A_344, %dma_start3A_345] : memref<1664x32xf32, #tpu.memory_space<vmem>> -> memref<128x32xf32, #tpu.memory_space<vmem>>
      %dma_start3A_347 = arith.constant 640 : i32
      %dma_start3A_348 = tpu.memref_slice %arg5[%dma_start3A_347] : memref<1664xi32, #tpu.memory_space<vmem>> -> memref<128xi32, #tpu.memory_space<vmem>>
      %dma_start3A_349 = arith.constant 0 : i32
      %dma_start3A_350 = arith.constant 0 : i32
      %dma_start3A_351 = tpu.memref_slice %arg3[%dma_start3A_349, %dma_start3A_350] : memref<2600000x32xf32, #tpu.memory_space<hbm>> -> memref<2600000x32xf32, #tpu.memory_space<hbm>>
      tpu.enqueue_indirect_dma source(%dma_start3A_351 : memref<2600000x32xf32, #tpu.memory_space<hbm>>) target(%dma_start3A_346 : memref<128x32xf32, #tpu.memory_space<vmem>>) offsets(%dma_start3A_348 : memref<128xi32, #tpu.memory_space<vmem>>) semaphore(%arg10 : memref<!tpu.dma_semaphore, #tpu.memory_space<semaphore_mem>>)
      %dma_start3A_352 = arith.constant 768 : i32
      %dma_start3A_353 = arith.constant 0 : i32
      %dma_start3A_354 = tpu.memref_slice %arg8[%dma_start3A_352, %dma_start3A_353] : memref<1664x32xf32, #tpu.memory_space<vmem>> -> memref<128x32xf32, #tpu.memory_space<vmem>>
      %dma_start3A_355 = arith.constant 768 : i32
      %dma_start3A_356 = tpu.memref_slice %arg5[%dma_start3A_355] : memref<1664xi32, #tpu.memory_space<vmem>> -> memref<128xi32, #tpu.memory_space<vmem>>
      %dma_start3A_357 = arith.constant 0 : i32
      %dma_start3A_358 = arith.constant 0 : i32
      %dma_start3A_359 = tpu.memref_slice %arg3[%dma_start3A_357, %dma_start3A_358] : memref<2600000x32xf32, #tpu.memory_space<hbm>> -> memref<2600000x32xf32, #tpu.memory_space<hbm>>
      tpu.enqueue_indirect_dma source(%dma_start3A_359 : memref<2600000x32xf32, #tpu.memory_space<hbm>>) target(%dma_start3A_354 : memref<128x32xf32, #tpu.memory_space<vmem>>) offsets(%dma_start3A_356 : memref<128xi32, #tpu.memory_space<vmem>>) semaphore(%arg10 : memref<!tpu.dma_semaphore, #tpu.memory_space<semaphore_mem>>)
      %dma_start3A_360 = arith.constant 896 : i32
      %dma_start3A_361 = arith.constant 0 : i32
      %dma_start3A_362 = tpu.memref_slice %arg8[%dma_start3A_360, %dma_start3A_361] : memref<1664x32xf32, #tpu.memory_space<vmem>> -> memref<128x32xf32, #tpu.memory_space<vmem>>
      %dma_start3A_363 = arith.constant 896 : i32
      %dma_start3A_364 = tpu.memref_slice %arg5[%dma_start3A_363] : memref<1664xi32, #tpu.memory_space<vmem>> -> memref<128xi32, #tpu.memory_space<vmem>>
      %dma_start3A_365 = arith.constant 0 : i32
      %dma_start3A_366 = arith.constant 0 : i32
      %dma_start3A_367 = tpu.memref_slice %arg3[%dma_start3A_365, %dma_start3A_366] : memref<2600000x32xf32, #tpu.memory_space<hbm>> -> memref<2600000x32xf32, #tpu.memory_space<hbm>>
      tpu.enqueue_indirect_dma source(%dma_start3A_367 : memref<2600000x32xf32, #tpu.memory_space<hbm>>) target(%dma_start3A_362 : memref<128x32xf32, #tpu.memory_space<vmem>>) offsets(%dma_start3A_364 : memref<128xi32, #tpu.memory_space<vmem>>) semaphore(%arg10 : memref<!tpu.dma_semaphore, #tpu.memory_space<semaphore_mem>>)
      %dma_start3A_368 = arith.constant 1024 : i32
      %dma_start3A_369 = arith.constant 0 : i32
      %dma_start3A_370 = tpu.memref_slice %arg8[%dma_start3A_368, %dma_start3A_369] : memref<1664x32xf32, #tpu.memory_space<vmem>> -> memref<128x32xf32, #tpu.memory_space<vmem>>
      %dma_start3A_371 = arith.constant 1024 : i32
      %dma_start3A_372 = tpu.memref_slice %arg5[%dma_start3A_371] : memref<1664xi32, #tpu.memory_space<vmem>> -> memref<128xi32, #tpu.memory_space<vmem>>
      %dma_start3A_373 = arith.constant 0 : i32
      %dma_start3A_374 = arith.constant 0 : i32
      %dma_start3A_375 = tpu.memref_slice %arg3[%dma_start3A_373, %dma_start3A_374] : memref<2600000x32xf32, #tpu.memory_space<hbm>> -> memref<2600000x32xf32, #tpu.memory_space<hbm>>
      tpu.enqueue_indirect_dma source(%dma_start3A_375 : memref<2600000x32xf32, #tpu.memory_space<hbm>>) target(%dma_start3A_370 : memref<128x32xf32, #tpu.memory_space<vmem>>) offsets(%dma_start3A_372 : memref<128xi32, #tpu.memory_space<vmem>>) semaphore(%arg10 : memref<!tpu.dma_semaphore, #tpu.memory_space<semaphore_mem>>)
      %dma_start3A_376 = arith.constant 1152 : i32
      %dma_start3A_377 = arith.constant 0 : i32
      %dma_start3A_378 = tpu.memref_slice %arg8[%dma_start3A_376, %dma_start3A_377] : memref<1664x32xf32, #tpu.memory_space<vmem>> -> memref<128x32xf32, #tpu.memory_space<vmem>>
      %dma_start3A_379 = arith.constant 1152 : i32
      %dma_start3A_380 = tpu.memref_slice %arg5[%dma_start3A_379] : memref<1664xi32, #tpu.memory_space<vmem>> -> memref<128xi32, #tpu.memory_space<vmem>>
      %dma_start3A_381 = arith.constant 0 : i32
      %dma_start3A_382 = arith.constant 0 : i32
      %dma_start3A_383 = tpu.memref_slice %arg3[%dma_start3A_381, %dma_start3A_382] : memref<2600000x32xf32, #tpu.memory_space<hbm>> -> memref<2600000x32xf32, #tpu.memory_space<hbm>>
      tpu.enqueue_indirect_dma source(%dma_start3A_383 : memref<2600000x32xf32, #tpu.memory_space<hbm>>) target(%dma_start3A_378 : memref<128x32xf32, #tpu.memory_space<vmem>>) offsets(%dma_start3A_380 : memref<128xi32, #tpu.memory_space<vmem>>) semaphore(%arg10 : memref<!tpu.dma_semaphore, #tpu.memory_space<semaphore_mem>>)
      %dma_start3A_384 = arith.constant 1280 : i32
      %dma_start3A_385 = arith.constant 0 : i32
      %dma_start3A_386 = tpu.memref_slice %arg8[%dma_start3A_384, %dma_start3A_385] : memref<1664x32xf32, #tpu.memory_space<vmem>> -> memref<128x32xf32, #tpu.memory_space<vmem>>
      %dma_start3A_387 = arith.constant 1280 : i32
      %dma_start3A_388 = tpu.memref_slice %arg5[%dma_start3A_387] : memref<1664xi32, #tpu.memory_space<vmem>> -> memref<128xi32, #tpu.memory_space<vmem>>
      %dma_start3A_389 = arith.constant 0 : i32
      %dma_start3A_390 = arith.constant 0 : i32
      %dma_start3A_391 = tpu.memref_slice %arg3[%dma_start3A_389, %dma_start3A_390] : memref<2600000x32xf32, #tpu.memory_space<hbm>> -> memref<2600000x32xf32, #tpu.memory_space<hbm>>
      tpu.enqueue_indirect_dma source(%dma_start3A_391 : memref<2600000x32xf32, #tpu.memory_space<hbm>>) target(%dma_start3A_386 : memref<128x32xf32, #tpu.memory_space<vmem>>) offsets(%dma_start3A_388 : memref<128xi32, #tpu.memory_space<vmem>>) semaphore(%arg10 : memref<!tpu.dma_semaphore, #tpu.memory_space<semaphore_mem>>)
      %dma_start3A_392 = arith.constant 1408 : i32
      %dma_start3A_393 = arith.constant 0 : i32
      %dma_start3A_394 = tpu.memref_slice %arg8[%dma_start3A_392, %dma_start3A_393] : memref<1664x32xf32, #tpu.memory_space<vmem>> -> memref<128x32xf32, #tpu.memory_space<vmem>>
      %dma_start3A_395 = arith.constant 1408 : i32
      %dma_start3A_396 = tpu.memref_slice %arg5[%dma_start3A_395] : memref<1664xi32, #tpu.memory_space<vmem>> -> memref<128xi32, #tpu.memory_space<vmem>>
      %dma_start3A_397 = arith.constant 0 : i32
      %dma_start3A_398 = arith.constant 0 : i32
      %dma_start3A_399 = tpu.memref_slice %arg3[%dma_start3A_397, %dma_start3A_398] : memref<2600000x32xf32, #tpu.memory_space<hbm>> -> memref<2600000x32xf32, #tpu.memory_space<hbm>>
      tpu.enqueue_indirect_dma source(%dma_start3A_399 : memref<2600000x32xf32, #tpu.memory_space<hbm>>) target(%dma_start3A_394 : memref<128x32xf32, #tpu.memory_space<vmem>>) offsets(%dma_start3A_396 : memref<128xi32, #tpu.memory_space<vmem>>) semaphore(%arg10 : memref<!tpu.dma_semaphore, #tpu.memory_space<semaphore_mem>>)
      %dma_start3A_400 = arith.constant 1536 : i32
      %dma_start3A_401 = arith.constant 0 : i32
      %dma_start3A_402 = tpu.memref_slice %arg8[%dma_start3A_400, %dma_start3A_401] : memref<1664x32xf32, #tpu.memory_space<vmem>> -> memref<128x32xf32, #tpu.memory_space<vmem>>
      %dma_start3A_403 = arith.constant 1536 : i32
      %dma_start3A_404 = tpu.memref_slice %arg5[%dma_start3A_403] : memref<1664xi32, #tpu.memory_space<vmem>> -> memref<128xi32, #tpu.memory_space<vmem>>
      %dma_start3A_405 = arith.constant 0 : i32
      %dma_start3A_406 = arith.constant 0 : i32
      %dma_start3A_407 = tpu.memref_slice %arg3[%dma_start3A_405, %dma_start3A_406] : memref<2600000x32xf32, #tpu.memory_space<hbm>> -> memref<2600000x32xf32, #tpu.memory_space<hbm>>
      tpu.enqueue_indirect_dma source(%dma_start3A_407 : memref<2600000x32xf32, #tpu.memory_space<hbm>>) target(%dma_start3A_402 : memref<128x32xf32, #tpu.memory_space<vmem>>) offsets(%dma_start3A_404 : memref<128xi32, #tpu.memory_space<vmem>>) semaphore(%arg10 : memref<!tpu.dma_semaphore, #tpu.memory_space<semaphore_mem>>)
      %dma_wait3A_408 = arith.constant 0 : i32
      %dma_wait3A_409 = arith.constant 0 : i32
      %dma_wait3A_410 = tpu.memref_slice %arg4[%dma_wait3A_408, %dma_wait3A_409] : memref<1064960x32xf32, #tpu.memory_space<hbm>> -> memref<1664x32xf32, #tpu.memory_space<hbm>>
      %dma_wait3A_411 = arith.constant 0 : i32
      %dma_wait3A_412 = arith.constant 0 : i32
      %dma_wait3A_413 = tpu.memref_slice %arg4[%dma_wait3A_411, %dma_wait3A_412] : memref<1064960x32xf32, #tpu.memory_space<hbm>> -> memref<1664x32xf32, #tpu.memory_space<hbm>>
      tpu.wait_dma2 semaphore(%arg11 : memref<!tpu.dma_semaphore, #tpu.memory_space<semaphore_mem>>) src(%dma_wait3A_413 : memref<1664x32xf32, #tpu.memory_space<hbm>>) dst(%arg9 : memref<1664x32xf32, #tpu.memory_space<vmem>>)
      %add3A_414 = arith.constant 1 : i32
      %add3A_415 = arith.addi %mul3A_274, %add3A_414 : i32
      %mul3A_416 = arith.constant 1664 : i32
      %mul3A_417 = arith.muli %add3A_415, %mul3A_416 : i32
      %add3A_418 = arith.addi %mul3A_2, %mul3A_417 : i32
      %dma_start3A_419 = arith.constant 0 : i32
      %dma_start3A_420 = tpu.memref_slice %arg4[%add3A_418, %dma_start3A_419] : memref<1064960x32xf32, #tpu.memory_space<hbm>> -> memref<1664x32xf32, #tpu.memory_space<hbm>>
      %dma_start3A_421 = arith.constant 0 : i32
      %dma_start3A_422 = tpu.memref_slice %arg4[%add3A_418, %dma_start3A_421] : memref<1064960x32xf32, #tpu.memory_space<hbm>> -> memref<1664x32xf32, #tpu.memory_space<hbm>>
      tpu.enqueue_dma source(%arg9 : memref<1664x32xf32, #tpu.memory_space<vmem>>) target(%dma_start3A_422 : memref<1664x32xf32, #tpu.memory_space<hbm>>) target_semaphore(%arg13 : memref<!tpu.dma_semaphore, #tpu.memory_space<semaphore_mem>>)
      %add3A_423 = arith.constant 3 : i32
      %add3A_424 = arith.addi %mul3A_274, %add3A_423 : i32
      %mul3A_425 = arith.constant 1664 : i32
      %mul3A_426 = arith.muli %add3A_424, %mul3A_425 : i32
      %add3A_427 = arith.addi %mul3A_2, %mul3A_426 : i32
      "tpu.region"() ({
        %run_scoped3A = tpu.sem_alloc : memref<!tpu.dma_semaphore, #tpu.memory_space<semaphore_mem>>
        %dma_start3A_543 = tpu.memref_slice %arg2[%add3A_427] : memref<1064960xi32, #tpu.memory_space<hbm>> -> memref<1664xi32, #tpu.memory_space<hbm>>
        %dma_start3A_544 = tpu.memref_slice %arg2[%add3A_427] : memref<1064960xi32, #tpu.memory_space<hbm>> -> memref<1664xi32, #tpu.memory_space<hbm>>
        tpu.enqueue_dma source(%dma_start3A_544 : memref<1664xi32, #tpu.memory_space<hbm>>) target(%arg6 : memref<1664xi32, #tpu.memory_space<vmem>>) target_semaphore(%run_scoped3A : memref<!tpu.dma_semaphore, #tpu.memory_space<semaphore_mem>>)
        %dma_wait3A_545 = tpu.memref_slice %arg2[%add3A_427] : memref<1064960xi32, #tpu.memory_space<hbm>> -> memref<1664xi32, #tpu.memory_space<hbm>>
        %dma_wait3A_546 = tpu.memref_slice %arg2[%add3A_427] : memref<1064960xi32, #tpu.memory_space<hbm>> -> memref<1664xi32, #tpu.memory_space<hbm>>
        tpu.wait_dma2 semaphore(%run_scoped3A : memref<!tpu.dma_semaphore, #tpu.memory_space<semaphore_mem>>) src(%dma_wait3A_546 : memref<1664xi32, #tpu.memory_space<hbm>>) dst(%arg6 : memref<1664xi32, #tpu.memory_space<vmem>>)
        tpu.yield
      }) : () -> ()
      %scan3A_428 = arith.constant 0 : i32
      %scan3A_429 = arith.constant 104 : i32
      %scan3A_430 = arith.addi %scan3A_428, %scan3A_429 : i32
      %scan3A_431 = arith.constant 1 : i32
      scf.for %scan3A_543 = %scan3A_428 to %scan3A_430 step %scan3A_431  : i32 {
        %mul3A_544 = arith.constant 1 : i32
        %mul3A_545 = arith.muli %scan3A_543, %mul3A_544 : i32
        %add3A_546 = arith.constant 0 : i32
        %add3A_547 = arith.addi %add3A_546, %mul3A_545 : i32
        %mul3A_548 = arith.constant 16 : i32
        %mul3A_549 = arith.muli %add3A_547, %mul3A_548 : i32
        %get3A = arith.index_cast %mul3A_549 : i32 to index
        %get3A_550 = tpu.vector_load %arg6[%get3A] {strides = array<i32>} : memref<1664xi32, #tpu.memory_space<vmem>>, vector<16xi32>,
        %get3A_551 = vector.shape_cast %get3A_550 : vector<16xi32> to vector<16xi32>
        %mul3A_552 = arith.constant 16 : i32
        %mul3A_553 = arith.muli %add3A_547, %mul3A_552 : i32
        %get3A_554 = arith.index_cast %mul3A_553 : i32 to index
        %get3A_555 = tpu.vector_load %arg7[%get3A_554] {strides = array<i32>} : memref<1664xi32, #tpu.memory_space<vmem>>, vector<16xi32>,
        %get3A_556 = vector.shape_cast %get3A_555 : vector<16xi32> to vector<16xi32>
        %add3A_557 = arith.addi %get3A_551, %get3A_556 : vector<16xi32>
        %mul3A_558 = arith.constant 16 : i32
        %mul3A_559 = arith.muli %add3A_547, %mul3A_558 : i32
        %swap3A = arith.index_cast %mul3A_559 : i32 to index
        %swap3A_560 = tpu.vector_load %arg6[%swap3A] {strides = array<i32>} : memref<1664xi32, #tpu.memory_space<vmem>>, vector<16xi32>,
        %swap3A_561 = vector.shape_cast %swap3A_560 : vector<16xi32> to vector<16xi32>
        %swap3A_562 = vector.shape_cast %add3A_557 : vector<16xi32> to vector<16xi32>
        tpu.vector_store %arg6[%swap3A], %swap3A_562 {strides = array<i32>} : memref<1664xi32, #tpu.memory_space<vmem>>, vector<16xi32>,
      }
      %scan3A_432 = arith.constant 104 : i32
      %dma_wait3A_433 = arith.constant 0 : i32
      %dma_wait3A_434 = arith.constant 0 : i32
      %dma_wait3A_435 = tpu.memref_slice %arg4[%dma_wait3A_433, %dma_wait3A_434] : memref<1064960x32xf32, #tpu.memory_space<hbm>> -> memref<1664x32xf32, #tpu.memory_space<hbm>>
      %dma_wait3A_436 = arith.constant 0 : i32
      %dma_wait3A_437 = arith.constant 0 : i32
      %dma_wait3A_438 = tpu.memref_slice %arg4[%dma_wait3A_436, %dma_wait3A_437] : memref<1064960x32xf32, #tpu.memory_space<hbm>> -> memref<1664x32xf32, #tpu.memory_space<hbm>>
      tpu.wait_dma2 semaphore(%arg13 : memref<!tpu.dma_semaphore, #tpu.memory_space<semaphore_mem>>) src(%arg9 : memref<1664x32xf32, #tpu.memory_space<vmem>>) dst(%dma_wait3A_438 : memref<1664x32xf32, #tpu.memory_space<hbm>>)
      %dma_start3A_439 = arith.constant 0 : i32
      %dma_start3A_440 = arith.constant 0 : i32
      %dma_start3A_441 = tpu.memref_slice %arg9[%dma_start3A_439, %dma_start3A_440] : memref<1664x32xf32, #tpu.memory_space<vmem>> -> memref<128x32xf32, #tpu.memory_space<vmem>>
      %dma_start3A_442 = arith.constant 0 : i32
      %dma_start3A_443 = tpu.memref_slice %arg6[%dma_start3A_442] : memref<1664xi32, #tpu.memory_space<vmem>> -> memref<128xi32, #tpu.memory_space<vmem>>
      %dma_start3A_444 = arith.constant 0 : i32
      %dma_start3A_445 = arith.constant 0 : i32
      %dma_start3A_446 = tpu.memref_slice %arg3[%dma_start3A_444, %dma_start3A_445] : memref<2600000x32xf32, #tpu.memory_space<hbm>> -> memref<2600000x32xf32, #tpu.memory_space<hbm>>
      tpu.enqueue_indirect_dma source(%dma_start3A_446 : memref<2600000x32xf32, #tpu.memory_space<hbm>>) target(%dma_start3A_441 : memref<128x32xf32, #tpu.memory_space<vmem>>) offsets(%dma_start3A_443 : memref<128xi32, #tpu.memory_space<vmem>>) semaphore(%arg11 : memref<!tpu.dma_semaphore, #tpu.memory_space<semaphore_mem>>)
      %dma_start3A_447 = arith.constant 128 : i32
      %dma_start3A_448 = arith.constant 0 : i32
      %dma_start3A_449 = tpu.memref_slice %arg9[%dma_start3A_447, %dma_start3A_448] : memref<1664x32xf32, #tpu.memory_space<vmem>> -> memref<128x32xf32, #tpu.memory_space<vmem>>
      %dma_start3A_450 = arith.constant 128 : i32
      %dma_start3A_451 = tpu.memref_slice %arg6[%dma_start3A_450] : memref<1664xi32, #tpu.memory_space<vmem>> -> memref<128xi32, #tpu.memory_space<vmem>>
      %dma_start3A_452 = arith.constant 0 : i32
      %dma_start3A_453 = arith.constant 0 : i32
      %dma_start3A_454 = tpu.memref_slice %arg3[%dma_start3A_452, %dma_start3A_453] : memref<2600000x32xf32, #tpu.memory_space<hbm>> -> memref<2600000x32xf32, #tpu.memory_space<hbm>>
      tpu.enqueue_indirect_dma source(%dma_start3A_454 : memref<2600000x32xf32, #tpu.memory_space<hbm>>) target(%dma_start3A_449 : memref<128x32xf32, #tpu.memory_space<vmem>>) offsets(%dma_start3A_451 : memref<128xi32, #tpu.memory_space<vmem>>) semaphore(%arg11 : memref<!tpu.dma_semaphore, #tpu.memory_space<semaphore_mem>>)
      %dma_start3A_455 = arith.constant 256 : i32
      %dma_start3A_456 = arith.constant 0 : i32
      %dma_start3A_457 = tpu.memref_slice %arg9[%dma_start3A_455, %dma_start3A_456] : memref<1664x32xf32, #tpu.memory_space<vmem>> -> memref<128x32xf32, #tpu.memory_space<vmem>>
      %dma_start3A_458 = arith.constant 256 : i32
      %dma_start3A_459 = tpu.memref_slice %arg6[%dma_start3A_458] : memref<1664xi32, #tpu.memory_space<vmem>> -> memref<128xi32, #tpu.memory_space<vmem>>
      %dma_start3A_460 = arith.constant 0 : i32
      %dma_start3A_461 = arith.constant 0 : i32
      %dma_start3A_462 = tpu.memref_slice %arg3[%dma_start3A_460, %dma_start3A_461] : memref<2600000x32xf32, #tpu.memory_space<hbm>> -> memref<2600000x32xf32, #tpu.memory_space<hbm>>
      tpu.enqueue_indirect_dma source(%dma_start3A_462 : memref<2600000x32xf32, #tpu.memory_space<hbm>>) target(%dma_start3A_457 : memref<128x32xf32, #tpu.memory_space<vmem>>) offsets(%dma_start3A_459 : memref<128xi32, #tpu.memory_space<vmem>>) semaphore(%arg11 : memref<!tpu.dma_semaphore, #tpu.memory_space<semaphore_mem>>)
      %dma_start3A_463 = arith.constant 384 : i32
      %dma_start3A_464 = arith.constant 0 : i32
      %dma_start3A_465 = tpu.memref_slice %arg9[%dma_start3A_463, %dma_start3A_464] : memref<1664x32xf32, #tpu.memory_space<vmem>> -> memref<128x32xf32, #tpu.memory_space<vmem>>
      %dma_start3A_466 = arith.constant 384 : i32
      %dma_start3A_467 = tpu.memref_slice %arg6[%dma_start3A_466] : memref<1664xi32, #tpu.memory_space<vmem>> -> memref<128xi32, #tpu.memory_space<vmem>>
      %dma_start3A_468 = arith.constant 0 : i32
      %dma_start3A_469 = arith.constant 0 : i32
      %dma_start3A_470 = tpu.memref_slice %arg3[%dma_start3A_468, %dma_start3A_469] : memref<2600000x32xf32, #tpu.memory_space<hbm>> -> memref<2600000x32xf32, #tpu.memory_space<hbm>>
      tpu.enqueue_indirect_dma source(%dma_start3A_470 : memref<2600000x32xf32, #tpu.memory_space<hbm>>) target(%dma_start3A_465 : memref<128x32xf32, #tpu.memory_space<vmem>>) offsets(%dma_start3A_467 : memref<128xi32, #tpu.memory_space<vmem>>) semaphore(%arg11 : memref<!tpu.dma_semaphore, #tpu.memory_space<semaphore_mem>>)
      %dma_start3A_471 = arith.constant 512 : i32
      %dma_start3A_472 = arith.constant 0 : i32
      %dma_start3A_473 = tpu.memref_slice %arg9[%dma_start3A_471, %dma_start3A_472] : memref<1664x32xf32, #tpu.memory_space<vmem>> -> memref<128x32xf32, #tpu.memory_space<vmem>>
      %dma_start3A_474 = arith.constant 512 : i32
      %dma_start3A_475 = tpu.memref_slice %arg6[%dma_start3A_474] : memref<1664xi32, #tpu.memory_space<vmem>> -> memref<128xi32, #tpu.memory_space<vmem>>
      %dma_start3A_476 = arith.constant 0 : i32
      %dma_start3A_477 = arith.constant 0 : i32
      %dma_start3A_478 = tpu.memref_slice %arg3[%dma_start3A_476, %dma_start3A_477] : memref<2600000x32xf32, #tpu.memory_space<hbm>> -> memref<2600000x32xf32, #tpu.memory_space<hbm>>
      tpu.enqueue_indirect_dma source(%dma_start3A_478 : memref<2600000x32xf32, #tpu.memory_space<hbm>>) target(%dma_start3A_473 : memref<128x32xf32, #tpu.memory_space<vmem>>) offsets(%dma_start3A_475 : memref<128xi32, #tpu.memory_space<vmem>>) semaphore(%arg11 : memref<!tpu.dma_semaphore, #tpu.memory_space<semaphore_mem>>)
      %dma_start3A_479 = arith.constant 640 : i32
      %dma_start3A_480 = arith.constant 0 : i32
      %dma_start3A_481 = tpu.memref_slice %arg9[%dma_start3A_479, %dma_start3A_480] : memref<1664x32xf32, #tpu.memory_space<vmem>> -> memref<128x32xf32, #tpu.memory_space<vmem>>
      %dma_start3A_482 = arith.constant 640 : i32
      %dma_start3A_483 = tpu.memref_slice %arg6[%dma_start3A_482] : memref<1664xi32, #tpu.memory_space<vmem>> -> memref<128xi32, #tpu.memory_space<vmem>>
      %dma_start3A_484 = arith.constant 0 : i32
      %dma_start3A_485 = arith.constant 0 : i32
      %dma_start3A_486 = tpu.memref_slice %arg3[%dma_start3A_484, %dma_start3A_485] : memref<2600000x32xf32, #tpu.memory_space<hbm>> -> memref<2600000x32xf32, #tpu.memory_space<hbm>>
      tpu.enqueue_indirect_dma source(%dma_start3A_486 : memref<2600000x32xf32, #tpu.memory_space<hbm>>) target(%dma_start3A_481 : memref<128x32xf32, #tpu.memory_space<vmem>>) offsets(%dma_start3A_483 : memref<128xi32, #tpu.memory_space<vmem>>) semaphore(%arg11 : memref<!tpu.dma_semaphore, #tpu.memory_space<semaphore_mem>>)
      %dma_start3A_487 = arith.constant 768 : i32
      %dma_start3A_488 = arith.constant 0 : i32
      %dma_start3A_489 = tpu.memref_slice %arg9[%dma_start3A_487, %dma_start3A_488] : memref<1664x32xf32, #tpu.memory_space<vmem>> -> memref<128x32xf32, #tpu.memory_space<vmem>>
      %dma_start3A_490 = arith.constant 768 : i32
      %dma_start3A_491 = tpu.memref_slice %arg6[%dma_start3A_490] : memref<1664xi32, #tpu.memory_space<vmem>> -> memref<128xi32, #tpu.memory_space<vmem>>
      %dma_start3A_492 = arith.constant 0 : i32
      %dma_start3A_493 = arith.constant 0 : i32
      %dma_start3A_494 = tpu.memref_slice %arg3[%dma_start3A_492, %dma_start3A_493] : memref<2600000x32xf32, #tpu.memory_space<hbm>> -> memref<2600000x32xf32, #tpu.memory_space<hbm>>
      tpu.enqueue_indirect_dma source(%dma_start3A_494 : memref<2600000x32xf32, #tpu.memory_space<hbm>>) target(%dma_start3A_489 : memref<128x32xf32, #tpu.memory_space<vmem>>) offsets(%dma_start3A_491 : memref<128xi32, #tpu.memory_space<vmem>>) semaphore(%arg11 : memref<!tpu.dma_semaphore, #tpu.memory_space<semaphore_mem>>)
      %dma_start3A_495 = arith.constant 896 : i32
      %dma_start3A_496 = arith.constant 0 : i32
      %dma_start3A_497 = tpu.memref_slice %arg9[%dma_start3A_495, %dma_start3A_496] : memref<1664x32xf32, #tpu.memory_space<vmem>> -> memref<128x32xf32, #tpu.memory_space<vmem>>
      %dma_start3A_498 = arith.constant 896 : i32
      %dma_start3A_499 = tpu.memref_slice %arg6[%dma_start3A_498] : memref<1664xi32, #tpu.memory_space<vmem>> -> memref<128xi32, #tpu.memory_space<vmem>>
      %dma_start3A_500 = arith.constant 0 : i32
      %dma_start3A_501 = arith.constant 0 : i32
      %dma_start3A_502 = tpu.memref_slice %arg3[%dma_start3A_500, %dma_start3A_501] : memref<2600000x32xf32, #tpu.memory_space<hbm>> -> memref<2600000x32xf32, #tpu.memory_space<hbm>>
      tpu.enqueue_indirect_dma source(%dma_start3A_502 : memref<2600000x32xf32, #tpu.memory_space<hbm>>) target(%dma_start3A_497 : memref<128x32xf32, #tpu.memory_space<vmem>>) offsets(%dma_start3A_499 : memref<128xi32, #tpu.memory_space<vmem>>) semaphore(%arg11 : memref<!tpu.dma_semaphore, #tpu.memory_space<semaphore_mem>>)
      %dma_start3A_503 = arith.constant 1024 : i32
      %dma_start3A_504 = arith.constant 0 : i32
      %dma_start3A_505 = tpu.memref_slice %arg9[%dma_start3A_503, %dma_start3A_504] : memref<1664x32xf32, #tpu.memory_space<vmem>> -> memref<128x32xf32, #tpu.memory_space<vmem>>
      %dma_start3A_506 = arith.constant 1024 : i32
      %dma_start3A_507 = tpu.memref_slice %arg6[%dma_start3A_506] : memref<1664xi32, #tpu.memory_space<vmem>> -> memref<128xi32, #tpu.memory_space<vmem>>
      %dma_start3A_508 = arith.constant 0 : i32
      %dma_start3A_509 = arith.constant 0 : i32
      %dma_start3A_510 = tpu.memref_slice %arg3[%dma_start3A_508, %dma_start3A_509] : memref<2600000x32xf32, #tpu.memory_space<hbm>> -> memref<2600000x32xf32, #tpu.memory_space<hbm>>
      tpu.enqueue_indirect_dma source(%dma_start3A_510 : memref<2600000x32xf32, #tpu.memory_space<hbm>>) target(%dma_start3A_505 : memref<128x32xf32, #tpu.memory_space<vmem>>) offsets(%dma_start3A_507 : memref<128xi32, #tpu.memory_space<vmem>>) semaphore(%arg11 : memref<!tpu.dma_semaphore, #tpu.memory_space<semaphore_mem>>)
      %dma_start3A_511 = arith.constant 1152 : i32
      %dma_start3A_512 = arith.constant 0 : i32
      %dma_start3A_513 = tpu.memref_slice %arg9[%dma_start3A_511, %dma_start3A_512] : memref<1664x32xf32, #tpu.memory_space<vmem>> -> memref<128x32xf32, #tpu.memory_space<vmem>>
      %dma_start3A_514 = arith.constant 1152 : i32
      %dma_start3A_515 = tpu.memref_slice %arg6[%dma_start3A_514] : memref<1664xi32, #tpu.memory_space<vmem>> -> memref<128xi32, #tpu.memory_space<vmem>>
      %dma_start3A_516 = arith.constant 0 : i32
      %dma_start3A_517 = arith.constant 0 : i32
      %dma_start3A_518 = tpu.memref_slice %arg3[%dma_start3A_516, %dma_start3A_517] : memref<2600000x32xf32, #tpu.memory_space<hbm>> -> memref<2600000x32xf32, #tpu.memory_space<hbm>>
      tpu.enqueue_indirect_dma source(%dma_start3A_518 : memref<2600000x32xf32, #tpu.memory_space<hbm>>) target(%dma_start3A_513 : memref<128x32xf32, #tpu.memory_space<vmem>>) offsets(%dma_start3A_515 : memref<128xi32, #tpu.memory_space<vmem>>) semaphore(%arg11 : memref<!tpu.dma_semaphore, #tpu.memory_space<semaphore_mem>>)
      %dma_start3A_519 = arith.constant 1280 : i32
      %dma_start3A_520 = arith.constant 0 : i32
      %dma_start3A_521 = tpu.memref_slice %arg9[%dma_start3A_519, %dma_start3A_520] : memref<1664x32xf32, #tpu.memory_space<vmem>> -> memref<128x32xf32, #tpu.memory_space<vmem>>
      %dma_start3A_522 = arith.constant 1280 : i32
      %dma_start3A_523 = tpu.memref_slice %arg6[%dma_start3A_522] : memref<1664xi32, #tpu.memory_space<vmem>> -> memref<128xi32, #tpu.memory_space<vmem>>
      %dma_start3A_524 = arith.constant 0 : i32
      %dma_start3A_525 = arith.constant 0 : i32
      %dma_start3A_526 = tpu.memref_slice %arg3[%dma_start3A_524, %dma_start3A_525] : memref<2600000x32xf32, #tpu.memory_space<hbm>> -> memref<2600000x32xf32, #tpu.memory_space<hbm>>
      tpu.enqueue_indirect_dma source(%dma_start3A_526 : memref<2600000x32xf32, #tpu.memory_space<hbm>>) target(%dma_start3A_521 : memref<128x32xf32, #tpu.memory_space<vmem>>) offsets(%dma_start3A_523 : memref<128xi32, #tpu.memory_space<vmem>>) semaphore(%arg11 : memref<!tpu.dma_semaphore, #tpu.memory_space<semaphore_mem>>)
      %dma_start3A_527 = arith.constant 1408 : i32
      %dma_start3A_528 = arith.constant 0 : i32
      %dma_start3A_529 = tpu.memref_slice %arg9[%dma_start3A_527, %dma_start3A_528] : memref<1664x32xf32, #tpu.memory_space<vmem>> -> memref<128x32xf32, #tpu.memory_space<vmem>>
      %dma_start3A_530 = arith.constant 1408 : i32
      %dma_start3A_531 = tpu.memref_slice %arg6[%dma_start3A_530] : memref<1664xi32, #tpu.memory_space<vmem>> -> memref<128xi32, #tpu.memory_space<vmem>>
      %dma_start3A_532 = arith.constant 0 : i32
      %dma_start3A_533 = arith.constant 0 : i32
      %dma_start3A_534 = tpu.memref_slice %arg3[%dma_start3A_532, %dma_start3A_533] : memref<2600000x32xf32, #tpu.memory_space<hbm>> -> memref<2600000x32xf32, #tpu.memory_space<hbm>>
      tpu.enqueue_indirect_dma source(%dma_start3A_534 : memref<2600000x32xf32, #tpu.memory_space<hbm>>) target(%dma_start3A_529 : memref<128x32xf32, #tpu.memory_space<vmem>>) offsets(%dma_start3A_531 : memref<128xi32, #tpu.memory_space<vmem>>) semaphore(%arg11 : memref<!tpu.dma_semaphore, #tpu.memory_space<semaphore_mem>>)
      %dma_start3A_535 = arith.constant 1536 : i32
      %dma_start3A_536 = arith.constant 0 : i32
      %dma_start3A_537 = tpu.memref_slice %arg9[%dma_start3A_535, %dma_start3A_536] : memref<1664x32xf32, #tpu.memory_space<vmem>> -> memref<128x32xf32, #tpu.memory_space<vmem>>
      %dma_start3A_538 = arith.constant 1536 : i32
      %dma_start3A_539 = tpu.memref_slice %arg6[%dma_start3A_538] : memref<1664xi32, #tpu.memory_space<vmem>> -> memref<128xi32, #tpu.memory_space<vmem>>
      %dma_start3A_540 = arith.constant 0 : i32
      %dma_start3A_541 = arith.constant 0 : i32
      %dma_start3A_542 = tpu.memref_slice %arg3[%dma_start3A_540, %dma_start3A_541] : memref<2600000x32xf32, #tpu.memory_space<hbm>> -> memref<2600000x32xf32, #tpu.memory_space<hbm>>
      tpu.enqueue_indirect_dma source(%dma_start3A_542 : memref<2600000x32xf32, #tpu.memory_space<hbm>>) target(%dma_start3A_537 : memref<128x32xf32, #tpu.memory_space<vmem>>) offsets(%dma_start3A_539 : memref<128xi32, #tpu.memory_space<vmem>>) semaphore(%arg11 : memref<!tpu.dma_semaphore, #tpu.memory_space<semaphore_mem>>)
    }
    %scan3A_232 = arith.constant 9 : i32
    %dma_wait3A = arith.constant 0 : i32
    %dma_wait3A_233 = arith.constant 0 : i32
    %dma_wait3A_234 = tpu.memref_slice %arg4[%dma_wait3A, %dma_wait3A_233] : memref<1064960x32xf32, #tpu.memory_space<hbm>> -> memref<1664x32xf32, #tpu.memory_space<hbm>>
    %dma_wait3A_235 = arith.constant 0 : i32
    %dma_wait3A_236 = arith.constant 0 : i32
    %dma_wait3A_237 = tpu.memref_slice %arg4[%dma_wait3A_235, %dma_wait3A_236] : memref<1064960x32xf32, #tpu.memory_space<hbm>> -> memref<1664x32xf32, #tpu.memory_space<hbm>>
    tpu.wait_dma2 semaphore(%arg10 : memref<!tpu.dma_semaphore, #tpu.memory_space<semaphore_mem>>) src(%dma_wait3A_237 : memref<1664x32xf32, #tpu.memory_space<hbm>>) dst(%arg8 : memref<1664x32xf32, #tpu.memory_space<vmem>>)
    %add3A_238 = arith.constant 29952 : i32
    %add3A_239 = arith.addi %mul3A_2, %add3A_238 : i32
    %dma_start3A_240 = arith.constant 0 : i32
    %dma_start3A_241 = tpu.memref_slice %arg4[%add3A_239, %dma_start3A_240] : memref<1064960x32xf32, #tpu.memory_space<hbm>> -> memref<1664x32xf32, #tpu.memory_space<hbm>>
    %dma_start3A_242 = arith.constant 0 : i32
    %dma_start3A_243 = tpu.memref_slice %arg4[%add3A_239, %dma_start3A_242] : memref<1064960x32xf32, #tpu.memory_space<hbm>> -> memref<1664x32xf32, #tpu.memory_space<hbm>>
    tpu.enqueue_dma source(%arg8 : memref<1664x32xf32, #tpu.memory_space<vmem>>) target(%dma_start3A_243 : memref<1664x32xf32, #tpu.memory_space<hbm>>) target_semaphore(%arg12 : memref<!tpu.dma_semaphore, #tpu.memory_space<semaphore_mem>>)
    %dma_wait3A_244 = arith.constant 0 : i32
    %dma_wait3A_245 = arith.constant 0 : i32
    %dma_wait3A_246 = tpu.memref_slice %arg4[%dma_wait3A_244, %dma_wait3A_245] : memref<1064960x32xf32, #tpu.memory_space<hbm>> -> memref<1664x32xf32, #tpu.memory_space<hbm>>
    %dma_wait3A_247 = arith.constant 0 : i32
    %dma_wait3A_248 = arith.constant 0 : i32
    %dma_wait3A_249 = tpu.memref_slice %arg4[%dma_wait3A_247, %dma_wait3A_248] : memref<1064960x32xf32, #tpu.memory_space<hbm>> -> memref<1664x32xf32, #tpu.memory_space<hbm>>
    tpu.wait_dma2 semaphore(%arg11 : memref<!tpu.dma_semaphore, #tpu.memory_space<semaphore_mem>>) src(%dma_wait3A_249 : memref<1664x32xf32, #tpu.memory_space<hbm>>) dst(%arg9 : memref<1664x32xf32, #tpu.memory_space<vmem>>)
    %add3A_250 = arith.constant 31616 : i32
    %add3A_251 = arith.addi %mul3A_2, %add3A_250 : i32
    %dma_start3A_252 = arith.constant 0 : i32
    %dma_start3A_253 = tpu.memref_slice %arg4[%add3A_251, %dma_start3A_252] : memref<1064960x32xf32, #tpu.memory_space<hbm>> -> memref<1664x32xf32, #tpu.memory_space<hbm>>
    %dma_start3A_254 = arith.constant 0 : i32
    %dma_start3A_255 = tpu.memref_slice %arg4[%add3A_251, %dma_start3A_254] : memref<1064960x32xf32, #tpu.memory_space<hbm>> -> memref<1664x32xf32, #tpu.memory_space<hbm>>
    tpu.enqueue_dma source(%arg9 : memref<1664x32xf32, #tpu.memory_space<vmem>>) target(%dma_start3A_255 : memref<1664x32xf32, #tpu.memory_space<hbm>>) target_semaphore(%arg13 : memref<!tpu.dma_semaphore, #tpu.memory_space<semaphore_mem>>)
    %dma_wait3A_256 = arith.constant 0 : i32
    %dma_wait3A_257 = arith.constant 0 : i32
    %dma_wait3A_258 = tpu.memref_slice %arg4[%dma_wait3A_256, %dma_wait3A_257] : memref<1064960x32xf32, #tpu.memory_space<hbm>> -> memref<1664x32xf32, #tpu.memory_space<hbm>>
    %dma_wait3A_259 = arith.constant 0 : i32
    %dma_wait3A_260 = arith.constant 0 : i32
    %dma_wait3A_261 = tpu.memref_slice %arg4[%dma_wait3A_259, %dma_wait3A_260] : memref<1064960x32xf32, #tpu.memory_space<hbm>> -> memref<1664x32xf32, #tpu.memory_space<hbm>>
    tpu.wait_dma2 semaphore(%arg12 : memref<!tpu.dma_semaphore, #tpu.memory_space<semaphore_mem>>) src(%arg8 : memref<1664x32xf32, #tpu.memory_space<vmem>>) dst(%dma_wait3A_261 : memref<1664x32xf32, #tpu.memory_space<hbm>>)
    %dma_wait3A_262 = arith.constant 0 : i32
    %dma_wait3A_263 = arith.constant 0 : i32
    %dma_wait3A_264 = tpu.memref_slice %arg4[%dma_wait3A_262, %dma_wait3A_263] : memref<1064960x32xf32, #tpu.memory_space<hbm>> -> memref<1664x32xf32, #tpu.memory_space<hbm>>
    %dma_wait3A_265 = arith.constant 0 : i32
    %dma_wait3A_266 = arith.constant 0 : i32
    %dma_wait3A_267 = tpu.memref_slice %arg4[%dma_wait3A_265, %dma_wait3A_266] : memref<1064960x32xf32, #tpu.memory_space<hbm>> -> memref<1664x32xf32, #tpu.memory_space<hbm>>
    tpu.wait_dma2 semaphore(%arg13 : memref<!tpu.dma_semaphore, #tpu.memory_space<semaphore_mem>>) src(%arg9 : memref<1664x32xf32, #tpu.memory_space<vmem>>) dst(%dma_wait3A_267 : memref<1664x32xf32, #tpu.memory_space<hbm>>)
    return
  }
}

</mosaic_0001>

<sc_bundles>
// kernel: _embed.3.cloned.1.call-start
scs
__scs_entry_jumppad:
0x0: {  	(pc) =	sbr.rel $0x88, $3  }
0x1: {  	(tag) =	ssettag $0x0;
	lr =	simm.s32 $0x1  }
0x2: {  	[smem:$0x3F9F] =	sst lr;
	_ =	strace $0xD0000000  }
0x3: {  	_ = 	snop  }
0x4: {  	_ = 	snop  }
0x5: {  	_ = 	snop  }
0x6: {  	_ = 	snop  }
0x7: {  	_ = 	snop  }
__scs_overlays_trampoline_lowered:
0x8: {  	[smem:$0x3FAE] =	sst s0  }
0x9: {  	[smem:$0x3FAF] =	sst s1  }
0xa: {  	[smem:$0x3FB0] =	sst s2  }
0xb: {  	[smem:$0x3FB1] =	sst s3  }
0xc: {  	[smem:$0x3FB2] =	sst s4  }
0xd: {  	[smem:$0x3FB3] =	sst s5  }
0xe: {  	[smem:$0x3FB4] =	sst s6  }
0xf: {  	[smem:$0x3FB5] =	sst s7  }
0x10: {  	[smem:$0x3FB6] =	sst s8  }
0x11: {  	[smem:$0x3FB7] =	sst s9;
	s0 =	simm.s32 @!p0 $0x0  }
0x12: {  	s1 =	sld [smem:$0x3F9D];
	s0 =	simm.s32 @p0 $0x1  }
0x13: {  	[smem:$0x3FB8] =	sst s0;
	s0 =	simm.s32 @!p1 $0x0  }
0x14: {  	s2 =	sld [smem:$0x3F9C];
	s0 =	simm.s32 @p1 $0x1  }
0x15: {  	[smem:$0x3FB9] =	sst s0;
	s0 =	simm.s32 @!p2 $0x0  }
0x16: {  	s3 =	sld [smem:$0x3FDB];
	s0 =	simm.s32 @p2 $0x1  }
0x17: {  	s4 =	simm.s32 $0x1BF5;
	[smem:$0x3FBB] =	sst s0  }
0x18: {  	s0 =	sld [smem:$0x3F9E];
	_ =	swait.ge [sflag:s4], $0x0  }
0x19: {  	s7 =	sld [smem:$0x3F9F]  }
0x1a: {  	s8 =	sadd.s32 $0xFFFFE003, lr  }
0x1b: {  	s9 =	sadd.s32 $0xFFFFFEF7, lr;
	s5 =	simm.s32 $0xFFFFFFFF;
	p2 =	slt.u32 s8, $0xFFFFF086  }
0x1c: {  	p1 =	slt.u32 s9, $0xF7A;
	s5 =	simm.s32 @!p2 $0x0  }
0x1d: {  	s5 =	simm.s32 @p1 $0x1;
	p0 =	seq.s32 s7, s2  }
0x1e: {  	s7 =	smul.u32 @!p0 $0xF7A, s2;
	p2 =	seq.s32 @!p0 s5, $0x0  }
0x1f: {  	s9 =	smul.u32 $0xF7A, s1;
	s8 =	simm.s32 @!p0 $0x1BF5;
	p2 =	por !p2, p0  }
0x20: {  	[sflag:s8] =	ssyncset.s32 @!p0 $0xFFFFF086;
	s6 =	sadd.s32 @!p0 s3, s7;
	s7 =	simm.s32 @!p0 $0x108  }
0x21: {  	s3 =	sadd.s32 s3, s9;
	s6 =	sadd.s32 @!p0 $0x88, s6;
	s7 =	simm.s32 @p2 $0x1082  }
0x22: {  	[simem:s7], [sflag:s8] =	dma.local @!p0 [hbm:s6], $0xF7A  }
0x23: {  	s9 =	sor.u32 $0xD0000000, s2;
	s6 =	simm.s32 $0x108;
	_ =	swait.ge @!p0 [sflag:s8], $0x0  }
0x24: {  	s3 =	sadd.s32 $0x88, s3;
	s6 =	simm.s32 @!p1 $0x1082;
	[sflag:s4] =	ssyncset.s32 $0xFFFFF086  }
0x25: {  	[simem:s6], [sflag:s4] =	dma.local [hbm:s3], $0xF7A  }
0x26: {  	[smem:$0x3F9F] =	sst s1;
	(tag) =	ssettag s2;
	_ =	strace s9  }
0x27: {  	s1 =	sld [smem:$0x3FAF]  }
0x28: {  	s2 =	sld [smem:$0x3FB0]  }
0x29: {  	s4 =	sld [smem:$0x3FB2]  }
0x2a: {  	p0 =	seq.s32 s5, $0x0;
	s5 =	sld [smem:$0x3FB3]  }
0x2b: {  	s6 =	sld [smem:$0x3FB4]  }
0x2c: {  	s7 =	sld [smem:$0x3FB5]  }
0x2d: {  	s3 =	simm.s32 $0x108;
	s8 =	sld [smem:$0x3FB6]  }
0x2e: {  	s3 =	simm.s32 @!p0 $0x1082;
	s9 =	sld [smem:$0x3FB7]  }
0x2f: {  	lr =	sadd.s32 s0, s3;
	s0 =	sld [smem:$0x3FAE]  }
0x30: {  	s3 =	sld [smem:$0x3FB1]  }
0x31: {  	[smem:$0x3FBA] =	sst s10  }
0x32: {  	s10 =	sld [smem:$0x3FB8];
	_ =	sdelay $0x3  }
0x33: {  	p0 =	seq.s32 s10, $0x1;
	s10 =	sld [smem:$0x3FBA];
	_ =	sdelay $0x3  }
0x34: {  	[smem:$0x3FBA] =	sst s10  }
0x35: {  	s10 =	sld [smem:$0x3FB9];
	_ =	sdelay $0x3  }
0x36: {  	p1 =	seq.s32 s10, $0x1;
	s10 =	sld [smem:$0x3FBA];
	_ =	sdelay $0x3  }
0x37: {  	[smem:$0x3FBA] =	sst s10  }
0x38: {  	s10 =	sld [smem:$0x3FBB]  }
0x39: {  	_ = 	snop;
	(pc) =	sbr.ind lr, $3  }
0x3a: {  	_ = 	snop  }
0x3b: {  	_ = 	snop  }
0x3c: {  	p2 =	seq.s32 s10, $0x1;
	s10 =	sld [smem:$0x3FBA]  }
0x3d: {  	_ =	shalt  }
0x3e: {  	_ =	shalt  }
0x3f: {  	_ =	shalt  }
0x40: {  	_ =	shalt  }
0x41: {  	_ =	shalt  }
0x42: {  	_ =	shalt  }
0x43: {  	_ =	shalt  }
0x44: {  	_ =	shalt  }
0x45: {  	_ =	shalt  }
0x46: {  	_ =	shalt  }
0x47: {  	_ =	shalt  }
0x48: {  	_ =	shalt  }
0x49: {  	_ =	shalt  }
0x4a: {  	_ =	shalt  }
0x4b: {  	_ =	shalt  }
0x4c: {  	_ =	shalt  }
0x4d: {  	_ =	shalt  }
0x4e: {  	_ =	shalt  }
0x4f: {  	_ =	shalt  }
0x50: {  	_ =	shalt  }
0x51: {  	_ =	shalt  }
0x52: {  	_ =	shalt  }
0x53: {  	_ =	shalt  }
0x54: {  	_ =	shalt  }
0x55: {  	_ =	shalt  }
0x56: {  	_ =	shalt  }
0x57: {  	_ =	shalt  }
0x58: {  	_ =	shalt  }
0x59: {  	_ =	shalt  }
0x5a: {  	_ =	shalt  }
0x5b: {  	_ =	shalt  }
0x5c: {  	_ =	shalt  }
0x5d: {  	_ =	shalt  }
0x5e: {  	_ =	shalt  }
0x5f: {  	_ =	shalt  }
0x60: {  	_ =	shalt  }
0x61: {  	_ =	shalt  }
0x62: {  	_ =	shalt  }
0x63: {  	_ =	shalt  }
0x64: {  	_ =	shalt  }
0x65: {  	_ =	shalt  }
0x66: {  	_ =	shalt  }
0x67: {  	_ =	shalt  }
0x68: {  	_ =	shalt  }
0x69: {  	_ =	shalt  }
0x6a: {  	_ =	shalt  }
0x6b: {  	_ =	shalt  }
0x6c: {  	_ =	shalt  }
0x6d: {  	_ =	shalt  }
0x6e: {  	_ =	shalt  }
0x6f: {  	_ =	shalt  }
0x70: {  	_ =	shalt  }
0x71: {  	_ =	shalt  }
0x72: {  	_ =	shalt  }
0x73: {  	_ =	shalt  }
0x74: {  	_ =	shalt  }
0x75: {  	_ =	shalt  }
0x76: {  	_ =	shalt  }
0x77: {  	_ =	shalt  }
0x78: {  	_ =	shalt  }
0x79: {  	_ =	shalt  }
0x7a: {  	_ =	shalt  }
0x7b: {  	_ =	shalt  }
0x7c: {  	_ =	shalt  }
0x7d: {  	_ =	shalt  }
0x7e: {  	_ =	shalt  }
0x7f: {  	_ =	shalt  }
0x80: {  	_ =	shalt  }
0x81: {  	_ =	shalt  }
0x82: {  	_ =	shalt  }
0x83: {  	_ =	shalt  }
0x84: {  	_ =	shalt  }
0x85: {  	_ =	shalt  }
0x86: {  	_ =	shalt  }
0x87: {  	_ =	shalt  }
.Lfunc_end0:
.L_simem_size_0:
called_computation.1_lowered:
.L_overlay_start_0:
0x88: {  	s2 =	sld [smem:$0x3FD9]  }
0x89: {  	s3 =	sld [smem:$0x3FFE];
	_ =	sdelay $0x1  }
0x8a: {  	s1 =	srdreg.scid  }
0x8b: {  	s0 =	sand.u32 $0x1, s1  }
0x8c: {  	s17 =	sshll.u32 s0, $0xA;
	s2 =	sadd.s32 s3, s2  }
0x8d: {  	s2 =	sadd.s32 s2, s17  }
0x8e: {  	[smem:$0x3FC6] =	sst s2  }
0x8f: {  	_ = 	snop  }
0x90: {  	s2 =	sld [smem:$0x3FC9]  }
0x91: {  	s18 =	sld [smem:$0x3FD0];
	(tm) =	ssettm $0x1  }
0x92: {  	s4 =	sld [smem:$0x3FFB];
	_ =	sdelay $0x3  }
0x93: {  	_ =	strace s4  }
0x94: {  	s4 =	sld [smem:$0x3FFC];
	_ =	sdelay $0x3  }
0x95: {  	_ =	strace s4  }
0x96: {  	s4 =	sld [smem:$0x3FFD];
	_ =	sdelay $0x3  }
0x97: {  	_ =	strace s4  }
0x98: {  	_ =	strace $0x8FFFFFFF  }
0x99: {  	s19 =	sld [smem:$0x3FDB];
	_ =	sdelay $0x1  }
0x9a: {  	s5 =	simm.s32 $_scs_section_size  }
0x9b: {  	s6 =	simm.s32 $_size__tile_overlayer_lowered;
	s7 =	simm.s32 $_tile_overlayer_lowered  }
0x9c: {  	s22 =	simm.s32 $0x1BFF;
	s21 =	sshll.u32 s7, $0x1;
	s4 =	sadd.s32 s5, s19  }
0x9d: {  	s8 =	simm.s32 $0x0;
	s20 =	sshll.u32 s6, $0x1;
	s6 =	sadd.s32 s21, s4  }
0x9e: {  	[timem:s8], [sflag:s22] =	dma.local [hbm:s6], s20  }
0x9f: {  	_ =	swait.ge [sflag:s22], s20  }
0xa0: {  	s5 =	ssub.s32 $0x0, s20;
	[sflag:s22] =	ssyncset.done $0x0  }
0xa1: {  	[sflag:s22] =	ssyncadd.s32 s5;
	_ =	sdelay $0x1  }
0xa2: {  	s23 =	simm.s32 $0x1B8B  }
0xa3: {  	_ =	swait.ge [sflag:s23], $0x1  }
0xa4: {  	[sflag:s23] =	ssyncset.done $0x0  }
0xa5: {  	s25 =	simm.s32 $0x1B8E;
	s24 =	sld [smem:$0x3FFE];
	[sflag:s23] =	ssyncadd.s32 $0xFFFFFFFF  }
0xa6: {  	s26 =	simm.s32 $execute0_lowered;
	[smem:$0x3FD2] =	sst s25  }
0xa7: {  	s6 =	sshll.u32 s26, $0x1;
	_ =	strace $0x80000046;
	[dreg:$0x1] =	wrdreg $0xFFFFFFFF  }
0xa8: {  	s28 =	simm.s32 $_size_execute0_lowered;
	s4 =	sadd.s32 s4, s6;
	[dreg:$0x0] =	wrdreg $0x0  }
0xa9: {  	s6 =	sshll.u32 s28, $0x1;
	[dreg:$0x2] =	wrdreg s4  }
0xaa: {  	[dreg:$0x3] =	wrdreg s6  }
0xab: {  	[dreg:$0x4] =	wrdreg $0xC0  }
0xac: {  	_ =	task [dreg:s8], $0x5FFFF  }
0xad: {  	[dreg:$0x1] =	wrdreg $0xFFFFFFFF  }
0xae: {  	[dreg:$0x0] =	wrdreg $0x60  }
0xaf: {  	[dreg:$0x2] =	wrdreg s2  }
0xb0: {  	[dreg:$0x3] =	wrdreg s24  }
0xb1: {  	[dreg:$0x4] =	wrdreg s18  }
0xb2: {  	[dreg:$0x5] =	wrdreg $0x9  }
0xb3: {  	_ =	task.clear_ibuf [dreg:s8], $0x6FFFF;
	_ =	strace $0x90000046  }
0xb4: {  	s29 =	simm.s32 $0x9;
	_ =	strace $0x80000048  }
0xb5: {  	_ =	swait.ge [sflag:s29], $0x1  }
0xb6: {  	[sflag:s29] =	ssyncadd.s32 $0xFFFFFFFF  }
0xb7: {  	_ =	strace $0x90000048  }
0xb8: {  	_ =	sfence  }
0xb9: {  	s30 =	sld [smem:$0x0];
	_ =	sdelay $0x2  }
0xba: {  	s31 =	sshll.u32 s1, $0xD;
	s1 =	sshrl.u32 s1, $0x2  }
0xbb: {  	s3 =	sand.u32 $0x4000, s31;
	s1 =	sadd.s32 s1, s30  }
0xbc: {  	s0 =	sor.u32 s3, s0;
	s1 =	sshll.u32 s1, $0x11  }
0xbd: {  	s0 =	sor.u32 s1, s0  }
0xbe: {  	s0 =	sadd.s32 $0x8F2B, s0  }
0xbf: {  	[sflag:s0] =	ssyncadd.remote.s32 $0x1  }
0xc0: {  	_ =	sfence.sel $0xFFFF  }
0xc1: {  	[dreg:$0x0] =	wrdreg $0xFFFFFFFF;
	(pc) =	sbr.abs _section_cstart, $3  }
0xc2: {  	[dreg:$0x1] =	wrdreg $0xFFFFFFFF  }
0xc3: {  	_ =	task.clear_ibuf [dreg:s8], $0x2FFFF;
	_ =	strace $0x9FFFFFFF  }
0xc4: {  	(tm) =	ssettm $0x7FFFFFFF  }
0xc5: {  	_ =	shalt  }
tec
execute0_lowered:
.L_overlay_start_1:
0x0: {  	(tag) =	ssettag $0x1  }
0x1: {  	s1 =	rddreg [dreg:$0x0]  }
0x2: {  	s0 =	rddreg [dreg:$0x1];
	s2 =	srdreg.scid  }
0x3: {  	s4 =	stileid.u32;
	s3 =	rddreg [dreg:$0x2]  }
0x4: {  	s9 =	simm.s32 $0x0;
	s15 =	simm.s32 $0x5;
	s16 =	simm.s32 $0x80  }
0x5: {  	s17 =	simm.s32 $0x1380;
	s20 =	simm.s32 $0x680;
	s21 =	simm.s32 $0xE380  }
0x6: {  	s14 =	simm.s32 $0x16380;
	s18 =	simm.s32 $0x17380;
	s19 =	simm.s32 $0xB80  }
0x7: {  	s28 =	simm.s32 $0x1;
	s29 =	simm.s32 $0x3;
	s30 =	simm.s32 $0x2  }
0x8: {  	s31 =	simm.s32 $0x4;
	s2 =	sand.u32 $0x1, s2;
	s4 =	sshll.u32 s4, $0x1  }
0x9: {  	[smem:$0x7FF] =	sst s9;
	s4 =	sor.u32 s2, s4;
	s22 =	ssub.s32 $0x2, s2  }
0xa: {  	s6 =	sadd.s32 $0x27ACC00, s0;
	s5 =	smul.u32 $0x8200, s4;
	s2 =	sshrl.u32 s22, $0x1  }
0xb: {  	_ =	strace $0x80000047;
	s4 =	smul.u32 $0x104000, s4;
	s0 =	ssub.s32 s22, s2  }
0xc: {  	s22 =	simm.s32 $0x18380;
	s7 =	sadd.s32 $0x680, s5;
	s23 =	sshrl.u32 s5, $0x3  }
0xd: {  	s25 =	sshrl.u32 s4, $0x3;
	s10 =	sadd.s32 $0xD00, s5;
	s11 =	sadd.s32 $0x1380, s5  }
0xe: {  	s0 =	smax.u32 s0, $0x1;
	s4 =	simm.s32 $0xB00;
	s8 =	sshrl.u32 s7, $0x3  }
0xf: {  	s2 =	sadd.s32 s1, s23;
	[dreg:$0x8] =	wrdreg s0;
	s23 =	simm.s32 $0xC00  }
0x10: {  	[dreg:$0x4] =	wrdreg s2;
	s24 =	sadd.s32 s1, s8;
	s2 =	sadd.s32 s3, s25  }
0x11: {  	s25 =	simm.s32 $0xC80;
	[dreg:$0x5] =	wrdreg s24;
	s26 =	sadd.s32 $0x1D400, s2  }
0x12: {  	s2 =	sadd.s32 $0x1EE00, s2;
	s24 =	simm.s32 $0x19380;
	[dreg:$0x6] =	wrdreg s26  }
0x13: {  	v0 =	vlaneseq.u32;
	[dreg:$0x7] =	wrdreg s2;
	s26 =	simm.s32 $0x1A380;
	s2 =	simm.s32 $0x0  }
.LBB2_1:
0x14: {  	v2 =	vor.u32 s9, v0  }
0x15: {  	v1 =	vmulhi.u32 $0x4EC4EC4F, v2;
	_ =	sdelay $0x1  }
0x16: {  	v1 =	vshrl.u32 v1, $0x3  }
0x17: {  	s0 =	simm.s32 $0x10;
	v3 =	vmul.u32 $0x1A, v1  }
0x18: {  	v1 =	vor.u32 s0, v0  }
0x19: {  	v2 =	vsub.s32 v2, v3;
	v3 =	vmulhi.u32 $0x4EC4EC4F, v1  }
0x1a: {  	v2 =	vmul.u32 $0x186A0, v2  }
0x1b: {  	s0 =	simm.s32 $0xD00;
	v3 =	vshrl.u32 v3, $0x3  }
0x1c: {  	[dreg:$0x9] =	wrdreg s2;
	s2 =	simm.s32 $0x20;
	[tilespmem:s0+$0x0] =	vst v2;
	v2 =	vmul.u32 $0x1A, v3  }
.LBB2_2:
0x1d: {  	p0 =	sne.s32 s2, $0x670  }
.Ltmp0:
0x1e: {  	v2 =	vsub.s32 v1, v2;
	v1 =	vor.u32 s2, v0;
	s2 =	sadd.s32 $0x10, s2;
	(pc) =	sbr.rel @p0 .LBB2_2-.Ltmp0, $4  }
0x1f: {  	v3 =	vmulhi.u32 $0x4EC4EC4F, v1;
	v2 =	vmul.u32 $0x186A0, v2  }
0x20: {  	s0 =	sadd.s32 $0x10, s0  }
0x21: {  	v3 =	vshrl.u32 v3, $0x3;
	[tilespmem:s0+$0x0] =	vst v2  }
0x22: {  	v2 =	vmul.u32 $0x1A, v3  }
0x23: {  	_ = 	snop  }
0x24: {  	v1 =	vsub.s32 v1, v2  }
0x25: {  	v1 =	vmul.u32 $0x186A0, v1  }
0x26: {  	s0 =	sadd.s32 $0x10, s0  }
0x27: {  	s13 =	simm.s32 $0x0;
	s2 =	rddreg [dreg:$0x4];
	[tilespmem:s0+$0x0] =	vst v1  }
0x28: {  	[tilespmem:s13], [sflag:$0x5] =	stream.linear.gather [hbm4b:s2+s13], $0x680, $0x38;
	[tilespmem:$0x1B380] =	vst v63  }
0x29: {  	_ =	swait.ge [sflag:s15], $0x680  }
0x2a: {  	[sflag:s15] =	ssyncset.done $0x0  }
0x2b: {  	s0 =	simm.s32 $0x0;
	[sflag:s15] =	ssyncadd.s32 $0xFFFFF980  }
0x2c: {  	s2 =	simm.s32 $0x40;
	v1 =	vld [tilespmem:s0+$0xD00]  }
.LBB2_4:
0x2d: {  	p0 =	sne.s32 s2, $0x19C0;
	v2 =	vld [tilespmem:s0+$0x0];
	_ =	sdelay $0x1  }
.Ltmp1:
0x2e: {  	(pc) =	sbr.rel @p0 .LBB2_4-.Ltmp1, $3  }
0x2f: {  	_ =	sdelay $0x1  }
0x30: {  	s8 =	sshra.s32 s2, $0x2;
	v2 =	vadd.s32 v2, v1  }
0x31: {  	s2 =	sadd.s32 $0x40, s2;
	v1 =	vld [tilespmem:s8+$0xD00];
	[tilespmem:s0+$0x0] =	vst v2;
	s0 =	smov.u32 s8  }
0x32: {  	v2 =	vld [tilespmem:s0+$0x0];
	_ =	sdelay $0x4  }
0x33: {  	v1 =	vadd.s32 v2, v1  }
0x34: {  	[tilespmem:s0+$0x0] =	vst v1;
	s0 =	simm.s32 $0x0  }
0x35: {  	[tilespmem:s17], [sflag:$0x1] =	stream.indirect.gather [hbm4b:s6+s16], $0x20, s0, s16, $0xb8;
	[tilespmem:$0x1B380] =	vst v63  }
0x36: {  	s2 =	simm.s32 $0x2380  }
0x37: {  	[tilespmem:s2], [sflag:$0x1] =	stream.indirect.gather [hbm4b:s6+s16], $0x20, s16, s16, $0xb8;
	[tilespmem:$0x1B380] =	vst v63  }
0x38: {  	s9 =	simm.s32 $0x100;
	s8 =	simm.s32 $0x3380  }
0x39: {  	[tilespmem:s8], [sflag:$0x1] =	stream.indirect.gather [hbm4b:s6+s16], $0x20, s9, s16, $0xb8;
	[tilespmem:$0x1B380] =	vst v63  }
0x3a: {  	s12 =	simm.s32 $0x180;
	s13 =	simm.s32 $0x4380  }
0x3b: {  	[tilespmem:s13], [sflag:$0x1] =	stream.indirect.gather [hbm4b:s6+s16], $0x20, s12, s16, $0xb8;
	[tilespmem:$0x1B380] =	vst v63  }
0x3c: {  	s8 =	simm.s32 $0x200;
	s9 =	simm.s32 $0x5380  }
0x3d: {  	[tilespmem:s9], [sflag:$0x1] =	stream.indirect.gather [hbm4b:s6+s16], $0x20, s8, s16, $0xb8;
	[tilespmem:$0x1B380] =	vst v63  }
0x3e: {  	s12 =	simm.s32 $0x280;
	s13 =	simm.s32 $0x6380  }
0x3f: {  	[tilespmem:s13], [sflag:$0x1] =	stream.indirect.gather [hbm4b:s6+s16], $0x20, s12, s16, $0xb8;
	[tilespmem:$0x1B380] =	vst v63  }
0x40: {  	s8 =	simm.s32 $0x300;
	s9 =	simm.s32 $0x7380  }
0x41: {  	[tilespmem:s9], [sflag:$0x1] =	stream.indirect.gather [hbm4b:s6+s16], $0x20, s8, s16, $0xb8;
	[tilespmem:$0x1B380] =	vst v63  }
0x42: {  	s12 =	simm.s32 $0x380;
	s13 =	simm.s32 $0x8380  }
0x43: {  	[tilespmem:s13], [sflag:$0x1] =	stream.indirect.gather [hbm4b:s6+s16], $0x20, s12, s16, $0xb8;
	[tilespmem:$0x1B380] =	vst v63  }
0x44: {  	s8 =	simm.s32 $0x400;
	s9 =	simm.s32 $0x9380  }
0x45: {  	[tilespmem:s9], [sflag:$0x1] =	stream.indirect.gather [hbm4b:s6+s16], $0x20, s8, s16, $0xb8;
	[tilespmem:$0x1B380] =	vst v63  }
0x46: {  	s12 =	simm.s32 $0x480;
	s13 =	simm.s32 $0xA380  }
0x47: {  	[tilespmem:s13], [sflag:$0x1] =	stream.indirect.gather [hbm4b:s6+s16], $0x20, s12, s16, $0xb8;
	[tilespmem:$0x1B380] =	vst v63  }
0x48: {  	s8 =	simm.s32 $0x500;
	s9 =	simm.s32 $0xB380  }
0x49: {  	[tilespmem:s9], [sflag:$0x1] =	stream.indirect.gather [hbm4b:s6+s16], $0x20, s8, s16, $0xb8;
	[tilespmem:$0x1B380] =	vst v63  }
0x4a: {  	s12 =	simm.s32 $0x580;
	s13 =	simm.s32 $0xC380  }
0x4b: {  	[tilespmem:s13], [sflag:$0x1] =	stream.indirect.gather [hbm4b:s6+s16], $0x20, s12, s16, $0xb8;
	[tilespmem:$0x1B380] =	vst v63  }
0x4c: {  	s9 =	simm.s32 $0x600;
	s12 =	simm.s32 $0xD380  }
0x4d: {  	[tilespmem:s12], [sflag:$0x1] =	stream.indirect.gather [hbm4b:s6+s16], $0x20, s9, s16, $0xb8;
	[tilespmem:$0x1B380] =	vst v63  }
0x4e: {  	s13 =	rddreg [dreg:$0x5]  }
0x4f: {  	[tilespmem:s20], [sflag:$0x5] =	stream.linear.gather [hbm4b:s13+s0], $0x680, $0x38;
	[tilespmem:$0x1B380] =	vst v63  }
0x50: {  	_ =	swait.ge [sflag:s15], $0x680  }
0x51: {  	[sflag:s15] =	ssyncset.done $0x0  }
0x52: {  	s0 =	simm.s32 $0x0;
	[sflag:s15] =	ssyncadd.s32 $0xFFFFF980  }
0x53: {  	s2 =	simm.s32 $0x40;
	v1 =	vld [tilespmem:s0+$0xD00]  }
.LBB2_6:
0x54: {  	p0 =	sne.s32 s2, $0x19C0;
	v2 =	vld [tilespmem:s0+$0x680];
	_ =	sdelay $0x1  }
.Ltmp2:
0x55: {  	(pc) =	sbr.rel @p0 .LBB2_6-.Ltmp2, $3  }
0x56: {  	_ =	sdelay $0x1  }
0x57: {  	s8 =	sshra.s32 s2, $0x2;
	v2 =	vadd.s32 v2, v1  }
0x58: {  	s2 =	sadd.s32 $0x40, s2;
	v1 =	vld [tilespmem:s8+$0xD00];
	[tilespmem:s0+$0x680] =	vst v2;
	s0 =	smov.u32 s8  }
0x59: {  	v2 =	vld [tilespmem:s0+$0x680];
	_ =	sdelay $0x4  }
0x5a: {  	v1 =	vadd.s32 v2, v1  }
0x5b: {  	[tilespmem:s0+$0x680] =	vst v1  }
0x5c: {  	[tilespmem:s21], [sflag:$0x2] =	stream.indirect.gather [hbm4b:s6+s16], $0x20, s20, s16, $0xb8;
	[tilespmem:$0x1B380] =	vst v63  }
0x5d: {  	s13 =	simm.s32 $0x700;
	s2 =	simm.s32 $0xF380  }
0x5e: {  	[tilespmem:s2], [sflag:$0x2] =	stream.indirect.gather [hbm4b:s6+s16], $0x20, s13, s16, $0xb8;
	[tilespmem:$0x1B380] =	vst v63  }
0x5f: {  	s8 =	simm.s32 $0x780;
	s9 =	simm.s32 $0x10380  }
0x60: {  	[tilespmem:s9], [sflag:$0x2] =	stream.indirect.gather [hbm4b:s6+s16], $0x20, s8, s16, $0xb8;
	[tilespmem:$0x1B380] =	vst v63  }
0x61: {  	s12 =	simm.s32 $0x800;
	s13 =	simm.s32 $0x11380  }
0x62: {  	[tilespmem:s13], [sflag:$0x2] =	stream.indirect.gather [hbm4b:s6+s16], $0x20, s12, s16, $0xb8;
	[tilespmem:$0x1B380] =	vst v63  }
0x63: {  	s8 =	simm.s32 $0x880;
	s9 =	simm.s32 $0x12380  }
0x64: {  	[tilespmem:s9], [sflag:$0x2] =	stream.indirect.gather [hbm4b:s6+s16], $0x20, s8, s16, $0xb8;
	[tilespmem:$0x1B380] =	vst v63  }
0x65: {  	s12 =	simm.s32 $0x900;
	s13 =	simm.s32 $0x13380  }
0x66: {  	[tilespmem:s13], [sflag:$0x2] =	stream.indirect.gather [hbm4b:s6+s16], $0x20, s12, s16, $0xb8;
	[tilespmem:$0x1B380] =	vst v63  }
0x67: {  	s2 =	simm.s32 $0x980;
	s8 =	simm.s32 $0x14380  }
0x68: {  	[tilespmem:s8], [sflag:$0x2] =	stream.indirect.gather [hbm4b:s6+s16], $0x20, s2, s16, $0xb8;
	[tilespmem:$0x1B380] =	vst v63  }
0x69: {  	s9 =	simm.s32 $0xA00;
	s12 =	simm.s32 $0x15380  }
0x6a: {  	[tilespmem:s12], [sflag:$0x2] =	stream.indirect.gather [hbm4b:s6+s16], $0x20, s9, s16, $0xb8;
	[tilespmem:$0x1B380] =	vst v63  }
0x6b: {  	s13 =	simm.s32 $0xA80  }
0x6c: {  	[tilespmem:s14], [sflag:$0x2] =	stream.indirect.gather [hbm4b:s6+s16], $0x20, s13, s16, $0xb8;
	[tilespmem:$0x1B380] =	vst v63  }
0x6d: {  	_ = 	snop  }
0x6e: {  	[tilespmem:s18], [sflag:$0x2] =	stream.indirect.gather [hbm4b:s6+s16], $0x20, s4, s16, $0xb8;
	[tilespmem:$0x1B380] =	vst v63  }
0x6f: {  	_ = 	snop  }
0x70: {  	[tilespmem:s22], [sflag:$0x2] =	stream.indirect.gather [hbm4b:s6+s16], $0x20, s19, s16, $0xb8;
	[tilespmem:$0x1B380] =	vst v63  }
0x71: {  	_ = 	snop  }
0x72: {  	[tilespmem:s24], [sflag:$0x2] =	stream.indirect.gather [hbm4b:s6+s16], $0x20, s23, s16, $0xb8;
	[tilespmem:$0x1B380] =	vst v63  }
0x73: {  	s0 =	simm.s32 $0x0;
	s2 =	simm.s32 $0x0  }
0x74: {  	[tilespmem:s26], [sflag:$0x2] =	stream.indirect.gather [hbm4b:s6+s16], $0x20, s25, s16, $0xb8;
	[tilespmem:$0x1B380] =	vst v63  }
.LBB2_8:
0x75: {  	s8 =	smul.u32 $0xD00, s0;
	_ =	sdelay $0x1  }
0x76: {  	_ =	swait.ge [sflag:s28], $0xD000;
	s9 =	sadd.s32 s5, s8  }
0x77: {  	[sflag:s28] =	ssyncset.done $0x0;
	s9 =	sshll.u32 s9, $0x2  }
0x78: {  	[sflag:s28] =	ssyncadd.s32 $0xFFFF3000;
	s13 =	sadd.s32 s8, s10;
	s9 =	sadd.s32 s3, s9  }
0x79: {  	[hbm4b:s9+s2] =	stream.linear.scatter [tilespmem:s17], [sflag:$0x3], $0xD000, $0x38;
	[tilespmem:$0x1B380] =	vst v63  }
0x7a: {  	s9 =	sshrl.u32 s13, $0x3  }
0x7b: {  	s9 =	sadd.s32 s1, s9  }
0x7c: {  	[tilespmem:s2], [sflag:$0x5] =	stream.linear.gather [hbm4b:s9+s2], $0x680, $0x38;
	[tilespmem:$0x1B380] =	vst v63  }
0x7d: {  	_ =	swait.ge [sflag:s15], $0x680  }
0x7e: {  	[sflag:s15] =	ssyncset.done $0x0  }
0x7f: {  	s9 =	simm.s32 $0x0;
	[sflag:s15] =	ssyncadd.s32 $0xFFFFF980  }
0x80: {  	s12 =	simm.s32 $0x40;
	v1 =	vld [tilespmem:s9+$0xD00]  }
.LBB2_9:
0x81: {  	p0 =	sne.s32 s12, $0x19C0;
	v2 =	vld [tilespmem:s9+$0x0];
	_ =	sdelay $0x1  }
.Ltmp3:
0x82: {  	(pc) =	sbr.rel @p0 .LBB2_9-.Ltmp3, $3  }
0x83: {  	_ =	sdelay $0x1  }
0x84: {  	s13 =	sshra.s32 s12, $0x2;
	v2 =	vadd.s32 v2, v1  }
0x85: {  	s12 =	sadd.s32 $0x40, s12;
	v1 =	vld [tilespmem:s13+$0xD00];
	[tilespmem:s9+$0x0] =	vst v2;
	s9 =	smov.u32 s13  }
0x86: {  	v2 =	vld [tilespmem:s9+$0x0];
	_ =	sdelay $0x4  }
0x87: {  	v1 =	vadd.s32 v2, v1  }
0x88: {  	[tilespmem:s9+$0x0] =	vst v1  }
0x89: {  	_ =	swait.ge [sflag:s29], $0xD000  }
0x8a: {  	[sflag:s29] =	ssyncset.done $0x0  }
0x8b: {  	s9 =	simm.s32 $0x0;
	[sflag:s29] =	ssyncadd.s32 $0xFFFF3000  }
0x8c: {  	[tilespmem:s17], [sflag:$0x1] =	stream.indirect.gather [hbm4b:s6+s16], $0x20, s9, s16, $0xb8;
	[tilespmem:$0x1B380] =	vst v63  }
0x8d: {  	s12 =	simm.s32 $0x2380  }
0x8e: {  	[tilespmem:s12], [sflag:$0x1] =	stream.indirect.gather [hbm4b:s6+s16], $0x20, s16, s16, $0xb8;
	[tilespmem:$0x1B380] =	vst v63  }
0x8f: {  	s13 =	simm.s32 $0x3380;
	s12 =	simm.s32 $0x100  }
0x90: {  	[tilespmem:s13], [sflag:$0x1] =	stream.indirect.gather [hbm4b:s6+s16], $0x20, s12, s16, $0xb8;
	[tilespmem:$0x1B380] =	vst v63  }
0x91: {  	s12 =	simm.s32 $0x180;
	s13 =	simm.s32 $0x4380  }
0x92: {  	[tilespmem:s13], [sflag:$0x1] =	stream.indirect.gather [hbm4b:s6+s16], $0x20, s12, s16, $0xb8;
	[tilespmem:$0x1B380] =	vst v63  }
0x93: {  	s12 =	simm.s32 $0x200;
	s13 =	simm.s32 $0x5380  }
0x94: {  	[tilespmem:s13], [sflag:$0x1] =	stream.indirect.gather [hbm4b:s6+s16], $0x20, s12, s16, $0xb8;
	[tilespmem:$0x1B380] =	vst v63  }
0x95: {  	s12 =	simm.s32 $0x280;
	s13 =	simm.s32 $0x6380  }
0x96: {  	[tilespmem:s13], [sflag:$0x1] =	stream.indirect.gather [hbm4b:s6+s16], $0x20, s12, s16, $0xb8;
	[tilespmem:$0x1B380] =	vst v63  }
0x97: {  	s12 =	simm.s32 $0x300;
	s13 =	simm.s32 $0x7380  }
0x98: {  	[tilespmem:s13], [sflag:$0x1] =	stream.indirect.gather [hbm4b:s6+s16], $0x20, s12, s16, $0xb8;
	[tilespmem:$0x1B380] =	vst v63  }
0x99: {  	s12 =	simm.s32 $0x380;
	s13 =	simm.s32 $0x8380  }
0x9a: {  	[tilespmem:s13], [sflag:$0x1] =	stream.indirect.gather [hbm4b:s6+s16], $0x20, s12, s16, $0xb8;
	[tilespmem:$0x1B380] =	vst v63  }
0x9b: {  	s12 =	simm.s32 $0x400;
	s13 =	simm.s32 $0x9380  }
0x9c: {  	[tilespmem:s13], [sflag:$0x1] =	stream.indirect.gather [hbm4b:s6+s16], $0x20, s12, s16, $0xb8;
	[tilespmem:$0x1B380] =	vst v63  }
0x9d: {  	s12 =	simm.s32 $0x480;
	s13 =	simm.s32 $0xA380  }
0x9e: {  	[tilespmem:s13], [sflag:$0x1] =	stream.indirect.gather [hbm4b:s6+s16], $0x20, s12, s16, $0xb8;
	[tilespmem:$0x1B380] =	vst v63  }
0x9f: {  	s12 =	simm.s32 $0x500;
	s13 =	simm.s32 $0xB380  }
0xa0: {  	[tilespmem:s13], [sflag:$0x1] =	stream.indirect.gather [hbm4b:s6+s16], $0x20, s12, s16, $0xb8;
	[tilespmem:$0x1B380] =	vst v63  }
0xa1: {  	s12 =	simm.s32 $0x580;
	s13 =	simm.s32 $0xC380  }
0xa2: {  	[tilespmem:s13], [sflag:$0x1] =	stream.indirect.gather [hbm4b:s6+s16], $0x20, s12, s16, $0xb8;
	[tilespmem:$0x1B380] =	vst v63  }
0xa3: {  	s12 =	simm.s32 $0x600;
	s13 =	simm.s32 $0xD380  }
0xa4: {  	[tilespmem:s13], [sflag:$0x1] =	stream.indirect.gather [hbm4b:s6+s16], $0x20, s12, s16, $0xb8;
	[tilespmem:$0x1B380] =	vst v63  }
0xa5: {  	s13 =	sadd.s32 s8, s7  }
0xa6: {  	_ =	swait.ge [sflag:s30], $0xD000;
	s12 =	sshll.u32 s13, $0x2  }
0xa7: {  	s13 =	sadd.s32 s8, s11;
	[sflag:s30] =	ssyncset.done $0x0;
	s12 =	sand.u32 $0x1FFFFE00, s12  }
0xa8: {  	s8 =	sshrl.u32 s13, $0x3;
	[sflag:s30] =	ssyncadd.s32 $0xFFFF3000;
	s12 =	sadd.s32 s3, s12  }
0xa9: {  	[hbm4b:s12+s9] =	stream.linear.scatter [tilespmem:s21], [sflag:$0x4], $0xD000, $0x38;
	[tilespmem:$0x1B380] =	vst v63  }
0xaa: {  	s8 =	sadd.s32 s1, s8  }
0xab: {  	[tilespmem:s20], [sflag:$0x5] =	stream.linear.gather [hbm4b:s8+s9], $0x680, $0x38;
	[tilespmem:$0x1B380] =	vst v63  }
0xac: {  	_ =	swait.ge [sflag:s15], $0x680  }
0xad: {  	[sflag:s15] =	ssyncset.done $0x0  }
0xae: {  	s8 =	simm.s32 $0x0;
	[sflag:s15] =	ssyncadd.s32 $0xFFFFF980  }
0xaf: {  	s9 =	simm.s32 $0x40;
	v1 =	vld [tilespmem:s8+$0xD00]  }
.LBB2_11:
0xb0: {  	p0 =	sne.s32 s9, $0x19C0;
	v2 =	vld [tilespmem:s8+$0x680];
	_ =	sdelay $0x1  }
.Ltmp4:
0xb1: {  	(pc) =	sbr.rel @p0 .LBB2_11-.Ltmp4, $3  }
0xb2: {  	_ =	sdelay $0x1  }
0xb3: {  	s12 =	sshra.s32 s9, $0x2;
	v2 =	vadd.s32 v2, v1  }
0xb4: {  	s9 =	sadd.s32 $0x40, s9;
	v1 =	vld [tilespmem:s12+$0xD00];
	[tilespmem:s8+$0x680] =	vst v2;
	s8 =	smov.u32 s12  }
0xb5: {  	v2 =	vld [tilespmem:s8+$0x680];
	_ =	sdelay $0x4  }
0xb6: {  	v1 =	vadd.s32 v2, v1  }
0xb7: {  	[tilespmem:s8+$0x680] =	vst v1  }
0xb8: {  	_ =	swait.ge [sflag:s31], $0xD000  }
0xb9: {  	[sflag:s31] =	ssyncset.done $0x0  }
0xba: {  	[sflag:s31] =	ssyncadd.s32 $0xFFFF3000  }
0xbb: {  	[tilespmem:s21], [sflag:$0x2] =	stream.indirect.gather [hbm4b:s6+s16], $0x20, s20, s16, $0xb8;
	[tilespmem:$0x1B380] =	vst v63  }
0xbc: {  	s13 =	simm.s32 $0x700;
	s9 =	simm.s32 $0xF380  }
0xbd: {  	[tilespmem:s9], [sflag:$0x2] =	stream.indirect.gather [hbm4b:s6+s16], $0x20, s13, s16, $0xb8;
	[tilespmem:$0x1B380] =	vst v63  }
0xbe: {  	s12 =	simm.s32 $0x780;
	s13 =	simm.s32 $0x10380  }
0xbf: {  	[tilespmem:s13], [sflag:$0x2] =	stream.indirect.gather [hbm4b:s6+s16], $0x20, s12, s16, $0xb8;
	[tilespmem:$0x1B380] =	vst v63  }
0xc0: {  	s12 =	simm.s32 $0x800;
	s13 =	simm.s32 $0x11380  }
0xc1: {  	[tilespmem:s13], [sflag:$0x2] =	stream.indirect.gather [hbm4b:s6+s16], $0x20, s12, s16, $0xb8;
	[tilespmem:$0x1B380] =	vst v63  }
0xc2: {  	s12 =	simm.s32 $0x880;
	s13 =	simm.s32 $0x12380  }
0xc3: {  	[tilespmem:s13], [sflag:$0x2] =	stream.indirect.gather [hbm4b:s6+s16], $0x20, s12, s16, $0xb8;
	[tilespmem:$0x1B380] =	vst v63  }
0xc4: {  	s12 =	simm.s32 $0x900;
	s13 =	simm.s32 $0x13380  }
0xc5: {  	[tilespmem:s13], [sflag:$0x2] =	stream.indirect.gather [hbm4b:s6+s16], $0x20, s12, s16, $0xb8;
	[tilespmem:$0x1B380] =	vst v63  }
0xc6: {  	s12 =	simm.s32 $0x980;
	s13 =	simm.s32 $0x14380  }
0xc7: {  	[tilespmem:s13], [sflag:$0x2] =	stream.indirect.gather [hbm4b:s6+s16], $0x20, s12, s16, $0xb8;
	[tilespmem:$0x1B380] =	vst v63  }
0xc8: {  	s9 =	simm.s32 $0xA00;
	s12 =	simm.s32 $0x15380  }
0xc9: {  	[tilespmem:s12], [sflag:$0x2] =	stream.indirect.gather [hbm4b:s6+s16], $0x20, s9, s16, $0xb8;
	[tilespmem:$0x1B380] =	vst v63  }
0xca: {  	s13 =	simm.s32 $0xA80  }
0xcb: {  	[tilespmem:s14], [sflag:$0x2] =	stream.indirect.gather [hbm4b:s6+s16], $0x20, s13, s16, $0xb8;
	[tilespmem:$0x1B380] =	vst v63  }
0xcc: {  	s0 =	sadd.s32 $0x1, s0  }
0xcd: {  	[tilespmem:s18], [sflag:$0x2] =	stream.indirect.gather [hbm4b:s6+s16], $0x20, s4, s16, $0xb8;
	[tilespmem:$0x1B380] =	vst v63  }
0xce: {  	p0 =	sne.s32 s0, $0x9  }
0xcf: {  	[tilespmem:s22], [sflag:$0x2] =	stream.indirect.gather [hbm4b:s6+s16], $0x20, s19, s16, $0xb8;
	[tilespmem:$0x1B380] =	vst v63  }
.Ltmp5:
0xd0: {  	_ = 	snop;
	(pc) =	sbr.rel @p0 .LBB2_8-.Ltmp5, $4  }
0xd1: {  	_ = 	snop  }
0xd2: {  	[tilespmem:s24], [sflag:$0x2] =	stream.indirect.gather [hbm4b:s6+s16], $0x20, s23, s16, $0xb8;
	[tilespmem:$0x1B380] =	vst v63  }
0xd3: {  	_ = 	snop  }
0xd4: {  	[tilespmem:s26], [sflag:$0x2] =	stream.indirect.gather [hbm4b:s6+s16], $0x20, s25, s16, $0xb8;
	[tilespmem:$0x1B380] =	vst v63  }
0xd5: {  	_ =	swait.ge [sflag:s28], $0xD000  }
0xd6: {  	[sflag:s28] =	ssyncset.done $0x0  }
0xd7: {  	s9 =	simm.s32 $0x0;
	s0 =	rddreg [dreg:$0x6];
	[sflag:s28] =	ssyncadd.s32 $0xFFFF3000  }
0xd8: {  	[hbm4b:s0+s9] =	stream.linear.scatter [tilespmem:s17], [sflag:$0x3], $0xD000, $0x38;
	[tilespmem:$0x1B380] =	vst v63  }
0xd9: {  	_ =	swait.ge [sflag:s30], $0xD000  }
0xda: {  	[sflag:s30] =	ssyncset.done $0x0  }
0xdb: {  	s12 =	rddreg [dreg:$0x7];
	[sflag:s30] =	ssyncadd.s32 $0xFFFF3000  }
0xdc: {  	[hbm4b:s12+s9] =	stream.linear.scatter [tilespmem:s21], [sflag:$0x4], $0xD000, $0x38;
	[tilespmem:$0x1B380] =	vst v63  }
0xdd: {  	_ =	swait.ge [sflag:s29], $0xD000  }
0xde: {  	[sflag:s29] =	ssyncset.done $0x0  }
0xdf: {  	[sflag:s29] =	ssyncadd.s32 $0xFFFF3000  }
0xe0: {  	_ =	swait.ge [sflag:s31], $0xD000  }
0xe1: {  	s2 =	rddreg [dreg:$0x9]  }
0xe2: {  	s13 =	rddreg [dreg:$0x8];
	s2 =	sadd.s32 $0x1, s2  }
0xe3: {  	p0 =	sne.s32 s2, s13  }
.Ltmp6:
0xe4: {  	_ = 	snop;
	(pc) =	sbr.rel @p0 .LBB2_1-.Ltmp6, $3  }
0xe5: {  	_ =	sdelay $0x1  }
0xe6: {  	[sflag:s31] =	ssyncset.done $0x0  }
0xe7: {  	[sflag:s31] =	ssyncadd.s32 $0xFFFF3000  }
0xe8: {  	_ =	sfence.sel $0x180000  }
0xe9: {  	[bflag:$0x0] =	sbarrier.arrive $0xFFFF  }
0xea: {  	_ =	strace $0x90000047  }
0xeb: {  	s0 =	stileid.u32;
	[bflag:$0x2] =	sbarrier.arrive $0xFFFF  }
0xec: {  	p0 =	sne.s32 s0, $0x0;
	s0 =	rddreg [dreg:$0x3]  }
0xed: {  	s0 =	sadd.s32 @!p0 $0x100000, s0  }
0xee: {  	[sflag:s0] =	ssyncadd.tile.s32 @!p0 $0x1;
	_ =	shalt  }
.Lfunc_end2:
_tile_overlayer_lowered:
.L_overlay_start_2:
0xef: {  	(tag) =	ssettag $0x2  }
0xf0: {  	s0 =	rddreg [dreg:$0x0];
	s2 =	stileid.u32  }
0xf1: {  	s1 =	rddreg [dreg:$0x1];
	p0 =	sne.s32 s2, $0x0  }
0xf2: {  	s3 =	rddreg [dreg:$0x2];
	[bflag:$0x3] =	sbarrier.arrive $0xFFFF;
	s2 =	simm.s32 @!p0 $0x1C05  }
0xf3: {  	[timem:s3], [sflag:s2] =	dma.local @!p0 [hbm:s0], s1  }
0xf4: {  	s0 =	simm.s32 @!p0 $0x5  }
0xf5: {  	_ =	swait.ge @!p0 [sflag:s0], s1  }
0xf6: {  	s1 =	ssub.s32 @!p0 $0x0, s1;
	[sflag:s0] =	ssyncset.done @!p0 $0x0  }
0xf7: {  	[sflag:s0] =	ssyncadd.s32 @!p0 s1  }
0xf8: {  	[bflag:$0x3] =	sbarrier.arrive $0xFFFF  }
0xf9: {  	_ =	shalt  }

// kernel: sparse-core-data-format-call.cloned.1.call-start
scs
called_computation_lowered:
.L_overlay_start_0:
0x0: {  	s2 =	sld [smem:$0x3FD9]  }
0x1: {  	s3 =	sld [smem:$0x3FFE];
	_ =	sdelay $0x1  }
0x2: {  	s1 =	srdreg.scid  }
0x3: {  	s0 =	sand.u32 $0x1, s1  }
0x4: {  	s18 =	sshll.u32 s0, $0xA;
	s2 =	sadd.s32 s3, s2  }
0x5: {  	s2 =	sadd.s32 s2, s18  }
0x6: {  	[smem:$0x3FC6] =	sst s2  }
0x7: {  	_ = 	snop  }
0x8: {  	s2 =	sld [smem:$0x3FD0];
	(tm) =	ssettm $0x1  }
0x9: {  	s19 =	sld [smem:$0x3FFB];
	_ =	sdelay $0x3  }
0xa: {  	_ =	strace s19  }
0xb: {  	s3 =	sld [smem:$0x3FFC];
	_ =	sdelay $0x3  }
0xc: {  	_ =	strace s3  }
0xd: {  	s3 =	sld [smem:$0x3FFD];
	_ =	sdelay $0x3  }
0xe: {  	_ =	strace s3  }
0xf: {  	_ =	strace $0x8FFFFFFF  }
0x10: {  	s20 =	sld [smem:$0x3FDB];
	_ =	sdelay $0x1  }
0x11: {  	s4 =	simm.s32 $_scs_section_size  }
0x12: {  	s5 =	simm.s32 $_size__tile_overlayer_lowered;
	s6 =	simm.s32 $_tile_overlayer_lowered  }
0x13: {  	s23 =	simm.s32 $0x1BFF;
	s22 =	sshll.u32 s6, $0x1;
	s3 =	sadd.s32 s4, s20  }
0x14: {  	s7 =	simm.s32 $0x0;
	s21 =	sshll.u32 s5, $0x1;
	s5 =	sadd.s32 s22, s3  }
0x15: {  	[timem:s7], [sflag:s23] =	dma.local [hbm:s5], s21  }
0x16: {  	_ =	swait.ge [sflag:s23], s21  }
0x17: {  	s4 =	ssub.s32 $0x0, s21;
	[sflag:s23] =	ssyncset.done $0x0  }
0x18: {  	[sflag:s23] =	ssyncadd.s32 s4;
	_ =	sdelay $0x1  }
0x19: {  	s24 =	simm.s32 $0x1B8B  }
0x1a: {  	_ =	swait.ge [sflag:s24], $0x1  }
0x1b: {  	[sflag:s24] =	ssyncset.done $0x0  }
0x1c: {  	s26 =	simm.s32 $0x1B8E;
	s25 =	sld [smem:$0x3FFE];
	[sflag:s24] =	ssyncadd.s32 $0xFFFFFFFF  }
0x1d: {  	s27 =	simm.s32 $execute0_lowered;
	[smem:$0x3FD2] =	sst s26  }
0x1e: {  	s5 =	sshll.u32 s27, $0x1;
	_ =	strace $0x80000049;
	[dreg:$0x1] =	wrdreg $0xFFFFFFFF  }
0x1f: {  	s28 =	simm.s32 $_size_execute0_lowered;
	s3 =	sadd.s32 s3, s5;
	[dreg:$0x0] =	wrdreg $0x0  }
0x20: {  	s5 =	sshll.u32 s28, $0x1;
	[dreg:$0x2] =	wrdreg s3  }
0x21: {  	[dreg:$0x3] =	wrdreg s5  }
0x22: {  	[dreg:$0x4] =	wrdreg $0xC0  }
0x23: {  	_ =	task [dreg:s7], $0x5FFFF  }
0x24: {  	[dreg:$0x1] =	wrdreg $0xFFFFFFFF  }
0x25: {  	[dreg:$0x0] =	wrdreg $0x60  }
0x26: {  	[dreg:$0x2] =	wrdreg s25  }
0x27: {  	[dreg:$0x3] =	wrdreg s2  }
0x28: {  	[dreg:$0x4] =	wrdreg $0x9  }
0x29: {  	_ =	task.clear_ibuf [dreg:s7], $0x5FFFF;
	_ =	strace $0x90000049  }
0x2a: {  	s29 =	simm.s32 $0x9;
	_ =	strace $0x8000004B  }
0x2b: {  	_ =	swait.ge [sflag:s29], $0x1  }
0x2c: {  	[sflag:s29] =	ssyncadd.s32 $0xFFFFFFFF  }
0x2d: {  	_ =	strace $0x9000004B  }
0x2e: {  	_ =	sfence  }
0x2f: {  	s30 =	sld [smem:$0x0];
	_ =	sdelay $0x2  }
0x30: {  	s31 =	sshll.u32 s1, $0xD;
	s1 =	sshrl.u32 s1, $0x2  }
0x31: {  	s3 =	sand.u32 $0x4000, s31;
	s1 =	sadd.s32 s1, s30  }
0x32: {  	s0 =	sor.u32 s3, s0;
	s1 =	sshll.u32 s1, $0x11  }
0x33: {  	s0 =	sor.u32 s1, s0  }
0x34: {  	s0 =	sadd.s32 $0x8F2B, s0  }
0x35: {  	[sflag:s0] =	ssyncadd.remote.s32 $0x1  }
0x36: {  	_ =	sfence.sel $0xFFFF  }
0x37: {  	[dreg:$0x0] =	wrdreg $0xFFFFFFFF;
	(pc) =	sbr.abs _section_cstart, $3  }
0x38: {  	[dreg:$0x1] =	wrdreg $0xFFFFFFFF  }
0x39: {  	_ =	task.clear_ibuf [dreg:s7], $0x2FFFF;
	_ =	strace $0x9FFFFFFF  }
0x3a: {  	(tm) =	ssettm $0x7FFFFFFF  }
0x3b: {  	_ =	shalt  }
tec
execute0_lowered:
.L_overlay_start_1:
0x0: {  	(tag) =	ssettag $0x1  }
0x1: {  	s0 =	srdreg.scid  }
0x2: {  	s1 =	sshll.u32 s0, $0x4  }
0x3: {  	s4 =	rddreg [dreg:$0x0];
	s0 =	stileid.u32;
	s1 =	sand.u32 $0x10, s1  }
0x4: {  	s2 =	rddreg [dreg:$0x1];
	s7 =	simm.s32 $0x1;
	s1 =	sor.u32 s0, s1  }
0x5: {  	s8 =	simm.s32 $0x2;
	s11 =	simm.s32 $0x0;
	s3 =	sshll.u32 s1, $0x7  }
0x6: {  	s10 =	simm.s32 $0x0;
	s4 =	sadd.s32 $0x800, s4;
	s6 =	ssub.s32 $0x104000, s3  }
.Ltmp0:
0x7: {  	s1 =	rddreg [dreg:$0x2];
	s5 =	sand.u32 $0xF80, s6;
	(pc) =	sbr.rel .LBB1_1-.Ltmp0, $4  }
0x8: {  	_ =	strace $0x8000004A;
	s9 =	smov.u32 s3;
	p0 =	sne.s32 s5, $0x0  }
0x9: {  	s6 =	sshrl.u32 s6, $0xC;
	s5 =	simm.s32 $0x1;
	s7 =	simm.s32 @!p0 $0x0  }
0xa: {  	[sflag:s5] =	ssyncpa.u1 $0x0;
	p0 =	por $0x0, $0x0;
	s6 =	sadd.s32 s7, s6  }
0xb: {  	[sflag:s8] =	ssyncpa.u1 $0x0;
	s8 =	simm.s32 $0x820000;
	s7 =	sadd.s32 $0x1, s6  }
.LBB1_4:
0xc: {  	s14 =	sshll.u32 s11, $0x3  }
0xd: {  	s30 =	sand.u32 $0x7F, s11;
	s15 =	sand.u32 $0xFFFFFC00, s14  }
0xe: {  	s11 =	sor.u32 s30, s15  }
0xf: {  	s15 =	smulhi.u32 $0xFC0FC0FD, s11  }
0x10: {  	s14 =	smulhi.u32 $0xFC0FC0FD, s14  }
0x11: {  	s15 =	sshrl.u32 s15, $0x14  }
0x12: {  	s14 =	sshrl.u32 s14, $0x14;
	s15 =	smul.u32 $0x104000, s15  }
0x13: {  	s14 =	sand.u32 $0x1F, s14  }
0x14: {  	s14 =	smul.u32 $0x20800, s14;
	s11 =	ssub.s32 s11, s15  }
0x15: {  	s15 =	sand.u32 $0x7, s11  }
0x16: {  	s14 =	sadd.s32 s2, s14;
	s11 =	sshrl.u32 s11, $0x3;
	s15 =	sshll.u32 s15, $0x12  }
0x17: {  	[tilespmem:s13+$0x0 ss:$0x81] =	vst.msk $0xffff, v0;
	s11 =	sadd.s32 s11, s14;
	s31 =	sor.u32 $0x400, s15  }
0x18: {  	[hbm4b:s11+s31] =	stream.strided.scatter [tilespmem:s12], [sflag:$0x2], $0x1000, s8, s31, $0x20;
	[tilespmem:$0x4040] =	vst v63  }
.LBB1_5:
0x19: {  	s13 =	sadd.s32 $0x1000, s9  }
0x1a: {  	p2 =	sgt.s32 s13, $0x103FFF  }
0x1b: {  	s13 =	smov.u32 @p2 s3;
	p2 =	sne.s32 s10, s7  }
.Ltmp1:
0x1c: {  	p1 =	slt.u32 s10, $0x2;
	(pc) =	sbr.rel @!p2 .LBB1_6-.Ltmp1, $4  }
0x1d: {  	s12 =	simm.s32 @!p1 $0x2  }
0x1e: {  	s14 =	sadd.s32 $0x1, s10;
	_ =	swait.ge @!p1 [sflag:s12], $0x1000  }
0x1f: {  	s11 =	smov.u32 s9;
	p0 =	por !p0, !p0;
	[sflag:s12] =	ssyncset.done @!p1 $0x0  }
0x20: {  	s10 =	smov.u32 s14;
	s9 =	smov.u32 s13;
	[sflag:s12] =	ssyncadd.s32 @!p1 $0xFFFFF000  }
.LBB1_1:
0x21: {  	p1 =	sge.u32 s10, s6  }
0x22: {  	s12 =	sand.u32 @!p1 $0x1FFFFFF, s9  }
0x23: {  	s13 =	smulhi.u32 @!p1 $0xFC0FC1, s12;
	_ =	sdelay $0x1  }
0x24: {  	s13 =	sshrl.u32 @!p1 s13, $0xC  }
0x25: {  	s13 =	smul.u32 @!p1 $0x104000, s13;
	_ =	sdelay $0x1  }
0x26: {  	s31 =	sadd.s32 $0xFFFFFFFF, s10;
	s14 =	sxor.u32 @!p1 $0xFFFFFFFF, s10;
	s12 =	ssub.s32 @!p1 s12, s13  }
0x27: {  	s15 =	simm.s32 @!p1 $0x80;
	s14 =	sshll.u32 @!p1 s14, $0xC;
	s12 =	sshll.u32 @!p1 s12, $0x4  }
0x28: {  	s13 =	sand.u32 @!p1 $0x1000, s14;
	s14 =	simm.s32 @!p1 $0x20;
	s12 =	sadd.s32 @!p1 s4, s12  }
0x29: {  	[tilespmem:s13], [sflag:$0x1] =	stream.strided.gather @!p1 [hbm4b:s12+s14], $0x1000, s15, s14, $0x38;
	[tilespmem:$0x4040] =	vst v63  }
0x2a: {  	p1 =	sge.u32 s31, s6  }
.Ltmp2:
0x2b: {  	_ = 	snop;
	(pc) =	sbr.rel @p1 .LBB1_5-.Ltmp2, $1  }
0x2c: {  	_ =	sdelay $0x3  }
0x2d: {  	s12 =	simm.s32 $0x1  }
0x2e: {  	_ =	swait.ge [sflag:s5], $0x1000;
	s12 =	simm.s32 @!p0 $0x0  }
0x2f: {  	[sflag:s5] =	ssyncset.done $0x0;
	s13 =	sshll.u32 s12, $0xC  }
0x30: {  	[sflag:s5] =	ssyncadd.s32 $0xFFFFF000;
	s16 =	sor.u32 $0x10, s13  }
0x31: {  	s12 =	smul.u32 $0x4080, s12;
	v1 =	vld [tilespmem:s16+$0x0]  }
0x32: {  	s30 =	sand.u32 $0x1, s10;
	v0 =	vld [tilespmem:s16+$0xFFFFFFF0]  }
0x33: {  	s13 =	smul.u32 $0x4080, s30;
	s12 =	sshrl.u32 s12, $0x2  }
0x34: {  	s14 =	sor.u32 $0x2000, s12  }
0x35: {  	s31 =	sshrl.u32 s13, $0x2;
	s13 =	sadd.s32 $0x0, s14  }
0x36: {  	s15 =	simm.s32 $0x4;
	s16 =	sadd.s32 $0x20, s16;
	s12 =	sor.u32 $0x2000, s31;
	[tilespmem:s13+$0x810 ss:$0x81] =	vst.msk $0xffff, v1  }
.LBB1_3:
0x37: {  	v1 =	vld [tilespmem:s16+$0x0];
	p1 =	sne.s32 s15, $0x1FC;
	[tilespmem:s13+$0x0 ss:$0x81] =	vst.msk $0xffff, v0;
	s13 =	smov.u32 s15;
	s15 =	sadd.s32 $0x4, s15  }
.Ltmp3:
0x38: {  	v0 =	vld [tilespmem:s16+$0xFFFFFFF0];
	(pc) =	sbr.rel @p1 .LBB1_3-.Ltmp3, $4  }
0x39: {  	_ = 	snop  }
0x3a: {  	s13 =	sshra.s32 s13, $0x2  }
0x3b: {  	s13 =	sadd.s32 s13, s14  }
0x3c: {  	s16 =	sadd.s32 $0x20, s16;
	[tilespmem:s13+$0x810 ss:$0x81] =	vst.msk $0xffff, v1  }
.Ltmp4:
0x3d: {  	_ = 	snop;
	(pc) =	sbr.rel .LBB1_4-.Ltmp4, $1  }
0x3e: {  	_ =	sdelay $0x3  }
.LBB1_6:
0x3f: {  	_ =	sfence.sel $0x180000  }
0x40: {  	s2 =	simm.s32 $0x1;
	[bflag:$0x0] =	sbarrier.arrive $0xFFFF  }
0x41: {  	s31 =	simm.s32 $0x2;
	[sflag:s2] =	ssyncpa.u1 $0x1  }
0x42: {  	[sflag:s31] =	ssyncpa.u1 $0x1  }
0x43: {  	p0 =	sne.s32 s0, $0x0;
	_ =	strace $0x9000004A  }
0x44: {  	s0 =	sadd.s32 @!p0 $0x100000, s1;
	[bflag:$0x2] =	sbarrier.arrive $0xFFFF  }
0x45: {  	[sflag:s0] =	ssyncadd.tile.s32 @!p0 $0x1;
	_ =	shalt  }
.Lfunc_end1:
_tile_overlayer_lowered:
.L_overlay_start_2:
0x46: {  	(tag) =	ssettag $0x2  }
0x47: {  	s0 =	rddreg [dreg:$0x0];
	s2 =	stileid.u32  }
0x48: {  	s1 =	rddreg [dreg:$0x1];
	p0 =	sne.s32 s2, $0x0  }
0x49: {  	s3 =	rddreg [dreg:$0x2];
	[bflag:$0x3] =	sbarrier.arrive $0xFFFF;
	s2 =	simm.s32 @!p0 $0x1C01  }
0x4a: {  	[timem:s3], [sflag:s2] =	dma.local @!p0 [hbm:s0], s1  }
0x4b: {  	s0 =	simm.s32 @!p0 $0x1  }
0x4c: {  	_ =	swait.ge @!p0 [sflag:s0], s1  }
0x4d: {  	s1 =	ssub.s32 @!p0 $0x0, s1;
	[sflag:s0] =	ssyncset.done @!p0 $0x0  }
0x4e: {  	[sflag:s0] =	ssyncadd.s32 @!p0 s1  }
0x4f: {  	[bflag:$0x3] =	sbarrier.arrive $0xFFFF  }
0x50: {  	_ =	shalt  }

</sc_bundles>
